<compile_context>
chip_gen: v7x
topology: tpu7x:2x2x1
jax: 0.10.2.dev20260603
libtpu: 0.0.44.dev20260713+nightly
codegen_flags: <defaults>
</compile_context>

<pallas_src>
import functools

import jax
import jax.numpy as jnp
from jax import lax
from jax.experimental import pallas as pl
from jax.experimental.pallas import tpu as pltpu
from jax.experimental.pallas import tpu_sc as plsc

B = 4096
D = 64
LEN_VOCAB = 51
OUT_W = 2 * D + LEN_VOCAB + D

_NC = 2
_NS = 16
_NW = _NC * _NS
_BPW = B // _NW

_mesh = plsc.VectorSubcoreMesh(core_axis_name="c", subcore_axis_name="s")


@functools.partial(
    pl.kernel,
    mesh=_mesh,
    out_type=[
        jax.ShapeDtypeStruct((B, D), jnp.float32),
        jax.ShapeDtypeStruct((B, D), jnp.float32),
        jax.ShapeDtypeStruct((B, D), jnp.float32),
    ],
    scratch_types=[
        pltpu.VMEM((_BPW,), jnp.int32),
        pltpu.VMEM((_BPW,), jnp.int32),
        pltpu.VMEM((_BPW,), jnp.int32),
        pltpu.VMEM((_BPW, D), jnp.float32),
        pltpu.VMEM((_BPW, D), jnp.float32),
        pltpu.VMEM((_BPW, D), jnp.float32),
        pltpu.SemaphoreType.DMA,
        pltpu.SemaphoreType.DMA,
    ],
)
def _gather3(adv_t, brd_t, ind_t, ia, ib, ii, oa, ob, oi,
             va, vb, vi, ra, rb, ri, sem_idx, sem):
    wid = lax.axis_index("s") * _NC + lax.axis_index("c")
    base = wid * _BPW
    ca = pltpu.async_copy(ia.at[pl.ds(base, _BPW)], va, sem_idx)
    cb = pltpu.async_copy(ib.at[pl.ds(base, _BPW)], vb, sem_idx)
    ci = pltpu.async_copy(ii.at[pl.ds(base, _BPW)], vi, sem_idx)
    ca.wait()
    cb.wait()
    ci.wait()

    @pl.loop(0, _BPW, step=16)
    def _(r0):
        idxa = va[pl.ds(r0, 16)]
        idxb = vb[pl.ds(r0, 16)]
        idxi = vi[pl.ds(r0, 16)]
        for j in range(16):
            r = r0 + j
            pltpu.async_copy(adv_t.at[pl.ds(idxa[j], 1), :],
                             ra.at[pl.ds(r, 1), :], sem)
            pltpu.async_copy(brd_t.at[pl.ds(idxb[j], 1), :],
                             rb.at[pl.ds(r, 1), :], sem)
            pltpu.async_copy(ind_t.at[pl.ds(idxi[j], 1), :],
                             ri.at[pl.ds(r, 1), :], sem)

    @pl.loop(0, _BPW)
    def _(r):
        pltpu.make_async_copy(adv_t.at[pl.ds(0, 1), :],
                              ra.at[pl.ds(0, 1), :], sem).wait()
        pltpu.make_async_copy(brd_t.at[pl.ds(0, 1), :],
                              rb.at[pl.ds(0, 1), :], sem).wait()
        pltpu.make_async_copy(ind_t.at[pl.ds(0, 1), :],
                              ri.at[pl.ds(0, 1), :], sem).wait()

    pltpu.sync_copy(ra, oa.at[pl.ds(base, _BPW), :])
    pltpu.sync_copy(rb, ob.at[pl.ds(base, _BPW), :])
    pltpu.sync_copy(ri, oi.at[pl.ds(base, _BPW), :])


_BLK = 2048


def _assemble_body(c_ref, a_ref, b_ref, i_ref, o_ref):
    oh = (c_ref[...] ==
          lax.broadcasted_iota(jnp.int32, (LEN_VOCAB, _BLK), 0))
    o_ref[pl.ds(0, D), :] = a_ref[...].T
    o_ref[pl.ds(D, D), :] = b_ref[...].T
    o_ref[pl.ds(2 * D, LEN_VOCAB), :] = oh.astype(jnp.float32)
    o_ref[pl.ds(2 * D + LEN_VOCAB, D), :] = i_ref[...].T


def _assemble(cl2, adv_emb, brd_emb, ind_emb):
    return pl.pallas_call(
        _assemble_body,
        grid=(B // _BLK,),
        in_specs=[
            pl.BlockSpec((1, _BLK), lambda i: (0, i)),
            pl.BlockSpec((_BLK, D), lambda i: (i, 0)),
            pl.BlockSpec((_BLK, D), lambda i: (i, 0)),
            pl.BlockSpec((_BLK, D), lambda i: (i, 0)),
        ],
        out_specs=pl.BlockSpec((OUT_W, _BLK), lambda i: (0, i)),
        out_shape=jax.ShapeDtypeStruct((OUT_W, B), jnp.float32),
    )(cl2, adv_emb, brd_emb, ind_emb)


def kernel(advertiser_id, brand_id, industry, campaign_length,
           adv_table, brand_table, ind_table):
    adv_emb, brd_emb, ind_emb = _gather3(
        adv_table, brand_table, ind_table,
        advertiser_id, brand_id, industry)
    out_t = _assemble(campaign_length.reshape(1, B),
                      adv_emb, brd_emb, ind_emb)
    return out_t.T

# --- scband reference (transcript-rebuilt; emitter-appended) ---
"""Pipeline reference for scband-user-model-24421184045568 (READ-ONLY COPY).

The authoritative reference and input builder live on the scoring server;
editing this copy changes nothing except your own understanding.
"""

import jax, jax.numpy as jnp
import numpy as np

B = 4096
D = 64
ADV_VOCAB = 100001  # len(unique_advertiser_ids) + 1 (StringLookup OOV row)
BRD_VOCAB = 100001  # len(unique_brand_ids) + 1
IND_VOCAB = 1001    # len(unique_industry_ids) + 1
LEN_VOCAB = 51      # len(tokens_len) + 1 (one-hot depth)


def setup_inputs(seed: int = 0) -> dict:
    key = jax.random.key(seed)
    k1, k2, k3, k4, k5, k6, k7 = jax.random.split(key, 7)
    return {
        "advertiser_id": jax.random.randint(k1, (B,), 0, ADV_VOCAB, dtype=jnp.int64 if jax.config.jax_enable_x64 else jnp.int32).astype(jnp.int32),
        "brand_id": jax.random.randint(k2, (B,), 0, BRD_VOCAB).astype(jnp.int32),
        "industry": jax.random.randint(k3, (B,), 0, IND_VOCAB).astype(jnp.int32),
        "campaign_length": jax.random.randint(k4, (B,), 0, LEN_VOCAB).astype(jnp.int32),
        "adv_table": jax.random.normal(k5, (ADV_VOCAB, D), dtype=jnp.float32) * 0.05,
        "brand_table": jax.random.normal(k6, (BRD_VOCAB, D), dtype=jnp.float32) * 0.05,
        "ind_table": jax.random.normal(k7, (IND_VOCAB, D), dtype=jnp.float32) * 0.05,
    }


def reference(advertiser_id, brand_id, industry, campaign_length, adv_table, brand_table, ind_table):
    # StringLookup is modeled as precomputed integer indices; Embedding is a table gather.
    adv_emb = jnp.take(adv_table, advertiser_id, axis=0)          # [B, D]
    brd_emb = jnp.take(brand_table, brand_id, axis=0)             # [B, D]
    len_oh = jax.nn.one_hot(campaign_length, LEN_VOCAB, dtype=jnp.float32)  # [B, LEN_VOCAB]
    ind_emb = jnp.take(ind_table, industry, axis=0)               # [B, D]
    return jnp.concatenate([adv_emb, brd_emb, len_oh, ind_emb], axis=1)  # [B, 2*D + LEN_VOCAB + D]

if __name__ == "__main__":
    import jax
    _d = setup_inputs()
    print(jax.jit(kernel)(*tuple(_d.values())))

</pallas_src>

<mosaic_0001>
#map = affine_map<(d0, d1) -> (0, 0)>
#map1 = affine_map<(d0, d1) -> (0)>
module attributes {stable_mosaic.version = 14 : i64} {
  func.func @_gather3(%arg0: i32, %arg1: i32, %arg2: memref<100001x64xf32, #tpu.memory_space<hbm>>, %arg3: memref<100001x64xf32, #tpu.memory_space<hbm>>, %arg4: memref<1001x64xf32, #tpu.memory_space<hbm>>, %arg5: memref<4096xi32, #tpu.memory_space<hbm>>, %arg6: memref<4096xi32, #tpu.memory_space<hbm>>, %arg7: memref<4096xi32, #tpu.memory_space<hbm>>, %arg8: memref<4096x64xf32, #tpu.memory_space<hbm>>, %arg9: memref<4096x64xf32, #tpu.memory_space<hbm>>, %arg10: memref<4096x64xf32, #tpu.memory_space<hbm>>, %arg11: memref<128xi32, #tpu.memory_space<vmem>>, %arg12: memref<128xi32, #tpu.memory_space<vmem>>, %arg13: memref<128xi32, #tpu.memory_space<vmem>>, %arg14: memref<128x64xf32, #tpu.memory_space<vmem>>, %arg15: memref<128x64xf32, #tpu.memory_space<vmem>>, %arg16: memref<128x64xf32, #tpu.memory_space<vmem>>, %arg17: memref<!tpu.dma_semaphore, #tpu.memory_space<semaphore_mem>>, %arg18: memref<!tpu.dma_semaphore, #tpu.memory_space<semaphore_mem>>) attributes {dimension_semantics = [#tpu.dimension_semantics<core_parallel>, #tpu.dimension_semantics<subcore_parallel>], iteration_bounds = array<i64: 2, 16>, scalar_prefetch = 0 : i64, scratch_operands = 8 : i64, tpu.core_type = #tpu.core_type<sc_vector_subcore>, window_params = [{transform_indices = #map}, {transform_indices = #map}, {transform_indices = #map}, {transform_indices = #map1}, {transform_indices = #map1}, {transform_indices = #map1}, {transform_indices = #map}, {transform_indices = #map}, {transform_indices = #map}]} {
    %mul3A = arith.constant 2 : i32
    %mul3A_0 = arith.muli %arg1, %mul3A : i32
    %add3A = arith.addi %mul3A_0, %arg0 : i32
    %mul3A_1 = arith.constant 128 : i32
    %mul3A_2 = arith.muli %add3A, %mul3A_1 : i32
    %dma_start3A = tpu.memref_slice %arg5[%mul3A_2] : memref<4096xi32, #tpu.memory_space<hbm>> -> memref<128xi32, #tpu.memory_space<hbm>>
    %dma_start3A_3 = tpu.memref_slice %arg5[%mul3A_2] : memref<4096xi32, #tpu.memory_space<hbm>> -> memref<128xi32, #tpu.memory_space<hbm>>
    tpu.enqueue_dma source(%dma_start3A_3 : memref<128xi32, #tpu.memory_space<hbm>>) target(%arg11 : memref<128xi32, #tpu.memory_space<vmem>>) target_semaphore(%arg17 : memref<!tpu.dma_semaphore, #tpu.memory_space<semaphore_mem>>)
    %dma_start3A_4 = tpu.memref_slice %arg6[%mul3A_2] : memref<4096xi32, #tpu.memory_space<hbm>> -> memref<128xi32, #tpu.memory_space<hbm>>
    %dma_start3A_5 = tpu.memref_slice %arg6[%mul3A_2] : memref<4096xi32, #tpu.memory_space<hbm>> -> memref<128xi32, #tpu.memory_space<hbm>>
    tpu.enqueue_dma source(%dma_start3A_5 : memref<128xi32, #tpu.memory_space<hbm>>) target(%arg12 : memref<128xi32, #tpu.memory_space<vmem>>) target_semaphore(%arg17 : memref<!tpu.dma_semaphore, #tpu.memory_space<semaphore_mem>>)
    %dma_start3A_6 = tpu.memref_slice %arg7[%mul3A_2] : memref<4096xi32, #tpu.memory_space<hbm>> -> memref<128xi32, #tpu.memory_space<hbm>>
    %dma_start3A_7 = tpu.memref_slice %arg7[%mul3A_2] : memref<4096xi32, #tpu.memory_space<hbm>> -> memref<128xi32, #tpu.memory_space<hbm>>
    tpu.enqueue_dma source(%dma_start3A_7 : memref<128xi32, #tpu.memory_space<hbm>>) target(%arg13 : memref<128xi32, #tpu.memory_space<vmem>>) target_semaphore(%arg17 : memref<!tpu.dma_semaphore, #tpu.memory_space<semaphore_mem>>)
    %dma_wait3A = tpu.memref_slice %arg5[%mul3A_2] : memref<4096xi32, #tpu.memory_space<hbm>> -> memref<128xi32, #tpu.memory_space<hbm>>
    %dma_wait3A_8 = tpu.memref_slice %arg5[%mul3A_2] : memref<4096xi32, #tpu.memory_space<hbm>> -> memref<128xi32, #tpu.memory_space<hbm>>
    tpu.wait_dma2 semaphore(%arg17 : memref<!tpu.dma_semaphore, #tpu.memory_space<semaphore_mem>>) src(%dma_wait3A_8 : memref<128xi32, #tpu.memory_space<hbm>>) dst(%arg11 : memref<128xi32, #tpu.memory_space<vmem>>)
    %dma_wait3A_9 = tpu.memref_slice %arg6[%mul3A_2] : memref<4096xi32, #tpu.memory_space<hbm>> -> memref<128xi32, #tpu.memory_space<hbm>>
    %dma_wait3A_10 = tpu.memref_slice %arg6[%mul3A_2] : memref<4096xi32, #tpu.memory_space<hbm>> -> memref<128xi32, #tpu.memory_space<hbm>>
    tpu.wait_dma2 semaphore(%arg17 : memref<!tpu.dma_semaphore, #tpu.memory_space<semaphore_mem>>) src(%dma_wait3A_10 : memref<128xi32, #tpu.memory_space<hbm>>) dst(%arg12 : memref<128xi32, #tpu.memory_space<vmem>>)
    %dma_wait3A_11 = tpu.memref_slice %arg7[%mul3A_2] : memref<4096xi32, #tpu.memory_space<hbm>> -> memref<128xi32, #tpu.memory_space<hbm>>
    %dma_wait3A_12 = tpu.memref_slice %arg7[%mul3A_2] : memref<4096xi32, #tpu.memory_space<hbm>> -> memref<128xi32, #tpu.memory_space<hbm>>
    tpu.wait_dma2 semaphore(%arg17 : memref<!tpu.dma_semaphore, #tpu.memory_space<semaphore_mem>>) src(%dma_wait3A_12 : memref<128xi32, #tpu.memory_space<hbm>>) dst(%arg13 : memref<128xi32, #tpu.memory_space<vmem>>)
    %scan3A = arith.constant 0 : i32
    %scan3A_13 = arith.constant 8 : i32
    %scan3A_14 = arith.addi %scan3A, %scan3A_13 : i32
    %scan3A_15 = arith.constant 1 : i32
    scf.for %scan3A_22 = %scan3A to %scan3A_14 step %scan3A_15  : i32 {
      %mul3A_23 = arith.constant 16 : i32
      %mul3A_24 = arith.muli %scan3A_22, %mul3A_23 : i32
      %add3A_25 = arith.constant 0 : i32
      %add3A_26 = arith.addi %add3A_25, %mul3A_24 : i32
      %get3A = arith.index_cast %add3A_26 : i32 to index
      %get3A_27 = tpu.vector_load %arg11[%get3A] {strides = array<i32>} : memref<128xi32, #tpu.memory_space<vmem>>, vector<16xi32>,
      %get3A_28 = vector.shape_cast %get3A_27 : vector<16xi32> to vector<16xi32>
      %get3A_29 = arith.index_cast %add3A_26 : i32 to index
      %get3A_30 = tpu.vector_load %arg12[%get3A_29] {strides = array<i32>} : memref<128xi32, #tpu.memory_space<vmem>>, vector<16xi32>,
      %get3A_31 = vector.shape_cast %get3A_30 : vector<16xi32> to vector<16xi32>
      %get3A_32 = arith.index_cast %add3A_26 : i32 to index
      %get3A_33 = tpu.vector_load %arg13[%get3A_32] {strides = array<i32>} : memref<128xi32, #tpu.memory_space<vmem>>, vector<16xi32>,
      %get3A_34 = vector.shape_cast %get3A_33 : vector<16xi32> to vector<16xi32>
      %add3A_35 = arith.constant 0 : i32
      %add3A_36 = arith.addi %add3A_26, %add3A_35 : i32
      %slice3A = vector.extract_strided_slice %get3A_28 {offsets = [0], sizes = [1], strides = [1]} : vector<16xi32> to vector<1xi32>
      %squeeze3A = vector.extract %slice3A[0] : i32 from vector<1xi32>
      %dma_start3A_37 = arith.constant 0 : i32
      %dma_start3A_38 = tpu.memref_slice %arg14[%add3A_36, %dma_start3A_37] : memref<128x64xf32, #tpu.memory_space<vmem>> -> memref<1x64xf32, #tpu.memory_space<vmem>>
      %dma_start3A_39 = arith.constant 0 : i32
      %dma_start3A_40 = tpu.memref_slice %arg2[%squeeze3A, %dma_start3A_39] : memref<100001x64xf32, #tpu.memory_space<hbm>> -> memref<1x64xf32, #tpu.memory_space<hbm>>
      %dma_start3A_41 = arith.constant 0 : i32
      %dma_start3A_42 = tpu.memref_slice %arg14[%add3A_36, %dma_start3A_41] : memref<128x64xf32, #tpu.memory_space<vmem>> -> memref<1x64xf32, #tpu.memory_space<vmem>>
      %dma_start3A_43 = arith.constant 0 : i32
      %dma_start3A_44 = tpu.memref_slice %arg2[%squeeze3A, %dma_start3A_43] : memref<100001x64xf32, #tpu.memory_space<hbm>> -> memref<1x64xf32, #tpu.memory_space<hbm>>
      tpu.enqueue_dma source(%dma_start3A_44 : memref<1x64xf32, #tpu.memory_space<hbm>>) target(%dma_start3A_42 : memref<1x64xf32, #tpu.memory_space<vmem>>) target_semaphore(%arg18 : memref<!tpu.dma_semaphore, #tpu.memory_space<semaphore_mem>>)
      %slice3A_45 = vector.extract_strided_slice %get3A_31 {offsets = [0], sizes = [1], strides = [1]} : vector<16xi32> to vector<1xi32>
      %squeeze3A_46 = vector.extract %slice3A_45[0] : i32 from vector<1xi32>
      %dma_start3A_47 = arith.constant 0 : i32
      %dma_start3A_48 = tpu.memref_slice %arg15[%add3A_36, %dma_start3A_47] : memref<128x64xf32, #tpu.memory_space<vmem>> -> memref<1x64xf32, #tpu.memory_space<vmem>>
      %dma_start3A_49 = arith.constant 0 : i32
      %dma_start3A_50 = tpu.memref_slice %arg3[%squeeze3A_46, %dma_start3A_49] : memref<100001x64xf32, #tpu.memory_space<hbm>> -> memref<1x64xf32, #tpu.memory_space<hbm>>
      %dma_start3A_51 = arith.constant 0 : i32
      %dma_start3A_52 = tpu.memref_slice %arg15[%add3A_36, %dma_start3A_51] : memref<128x64xf32, #tpu.memory_space<vmem>> -> memref<1x64xf32, #tpu.memory_space<vmem>>
      %dma_start3A_53 = arith.constant 0 : i32
      %dma_start3A_54 = tpu.memref_slice %arg3[%squeeze3A_46, %dma_start3A_53] : memref<100001x64xf32, #tpu.memory_space<hbm>> -> memref<1x64xf32, #tpu.memory_space<hbm>>
      tpu.enqueue_dma source(%dma_start3A_54 : memref<1x64xf32, #tpu.memory_space<hbm>>) target(%dma_start3A_52 : memref<1x64xf32, #tpu.memory_space<vmem>>) target_semaphore(%arg18 : memref<!tpu.dma_semaphore, #tpu.memory_space<semaphore_mem>>)
      %slice3A_55 = vector.extract_strided_slice %get3A_34 {offsets = [0], sizes = [1], strides = [1]} : vector<16xi32> to vector<1xi32>
      %squeeze3A_56 = vector.extract %slice3A_55[0] : i32 from vector<1xi32>
      %dma_start3A_57 = arith.constant 0 : i32
      %dma_start3A_58 = tpu.memref_slice %arg16[%add3A_36, %dma_start3A_57] : memref<128x64xf32, #tpu.memory_space<vmem>> -> memref<1x64xf32, #tpu.memory_space<vmem>>
      %dma_start3A_59 = arith.constant 0 : i32
      %dma_start3A_60 = tpu.memref_slice %arg4[%squeeze3A_56, %dma_start3A_59] : memref<1001x64xf32, #tpu.memory_space<hbm>> -> memref<1x64xf32, #tpu.memory_space<hbm>>
      %dma_start3A_61 = arith.constant 0 : i32
      %dma_start3A_62 = tpu.memref_slice %arg16[%add3A_36, %dma_start3A_61] : memref<128x64xf32, #tpu.memory_space<vmem>> -> memref<1x64xf32, #tpu.memory_space<vmem>>
      %dma_start3A_63 = arith.constant 0 : i32
      %dma_start3A_64 = tpu.memref_slice %arg4[%squeeze3A_56, %dma_start3A_63] : memref<1001x64xf32, #tpu.memory_space<hbm>> -> memref<1x64xf32, #tpu.memory_space<hbm>>
      tpu.enqueue_dma source(%dma_start3A_64 : memref<1x64xf32, #tpu.memory_space<hbm>>) target(%dma_start3A_62 : memref<1x64xf32, #tpu.memory_space<vmem>>) target_semaphore(%arg18 : memref<!tpu.dma_semaphore, #tpu.memory_space<semaphore_mem>>)
      %add3A_65 = arith.constant 1 : i32
      %add3A_66 = arith.addi %add3A_26, %add3A_65 : i32
      %slice3A_67 = vector.extract_strided_slice %get3A_28 {offsets = [1], sizes = [1], strides = [1]} : vector<16xi32> to vector<1xi32>
      %squeeze3A_68 = vector.extract %slice3A_67[0] : i32 from vector<1xi32>
      %dma_start3A_69 = arith.constant 0 : i32
      %dma_start3A_70 = tpu.memref_slice %arg14[%add3A_66, %dma_start3A_69] : memref<128x64xf32, #tpu.memory_space<vmem>> -> memref<1x64xf32, #tpu.memory_space<vmem>>
      %dma_start3A_71 = arith.constant 0 : i32
      %dma_start3A_72 = tpu.memref_slice %arg2[%squeeze3A_68, %dma_start3A_71] : memref<100001x64xf32, #tpu.memory_space<hbm>> -> memref<1x64xf32, #tpu.memory_space<hbm>>
      %dma_start3A_73 = arith.constant 0 : i32
      %dma_start3A_74 = tpu.memref_slice %arg14[%add3A_66, %dma_start3A_73] : memref<128x64xf32, #tpu.memory_space<vmem>> -> memref<1x64xf32, #tpu.memory_space<vmem>>
      %dma_start3A_75 = arith.constant 0 : i32
      %dma_start3A_76 = tpu.memref_slice %arg2[%squeeze3A_68, %dma_start3A_75] : memref<100001x64xf32, #tpu.memory_space<hbm>> -> memref<1x64xf32, #tpu.memory_space<hbm>>
      tpu.enqueue_dma source(%dma_start3A_76 : memref<1x64xf32, #tpu.memory_space<hbm>>) target(%dma_start3A_74 : memref<1x64xf32, #tpu.memory_space<vmem>>) target_semaphore(%arg18 : memref<!tpu.dma_semaphore, #tpu.memory_space<semaphore_mem>>)
      %slice3A_77 = vector.extract_strided_slice %get3A_31 {offsets = [1], sizes = [1], strides = [1]} : vector<16xi32> to vector<1xi32>
      %squeeze3A_78 = vector.extract %slice3A_77[0] : i32 from vector<1xi32>
      %dma_start3A_79 = arith.constant 0 : i32
      %dma_start3A_80 = tpu.memref_slice %arg15[%add3A_66, %dma_start3A_79] : memref<128x64xf32, #tpu.memory_space<vmem>> -> memref<1x64xf32, #tpu.memory_space<vmem>>
      %dma_start3A_81 = arith.constant 0 : i32
      %dma_start3A_82 = tpu.memref_slice %arg3[%squeeze3A_78, %dma_start3A_81] : memref<100001x64xf32, #tpu.memory_space<hbm>> -> memref<1x64xf32, #tpu.memory_space<hbm>>
      %dma_start3A_83 = arith.constant 0 : i32
      %dma_start3A_84 = tpu.memref_slice %arg15[%add3A_66, %dma_start3A_83] : memref<128x64xf32, #tpu.memory_space<vmem>> -> memref<1x64xf32, #tpu.memory_space<vmem>>
      %dma_start3A_85 = arith.constant 0 : i32
      %dma_start3A_86 = tpu.memref_slice %arg3[%squeeze3A_78, %dma_start3A_85] : memref<100001x64xf32, #tpu.memory_space<hbm>> -> memref<1x64xf32, #tpu.memory_space<hbm>>
      tpu.enqueue_dma source(%dma_start3A_86 : memref<1x64xf32, #tpu.memory_space<hbm>>) target(%dma_start3A_84 : memref<1x64xf32, #tpu.memory_space<vmem>>) target_semaphore(%arg18 : memref<!tpu.dma_semaphore, #tpu.memory_space<semaphore_mem>>)
      %slice3A_87 = vector.extract_strided_slice %get3A_34 {offsets = [1], sizes = [1], strides = [1]} : vector<16xi32> to vector<1xi32>
      %squeeze3A_88 = vector.extract %slice3A_87[0] : i32 from vector<1xi32>
      %dma_start3A_89 = arith.constant 0 : i32
      %dma_start3A_90 = tpu.memref_slice %arg16[%add3A_66, %dma_start3A_89] : memref<128x64xf32, #tpu.memory_space<vmem>> -> memref<1x64xf32, #tpu.memory_space<vmem>>
      %dma_start3A_91 = arith.constant 0 : i32
      %dma_start3A_92 = tpu.memref_slice %arg4[%squeeze3A_88, %dma_start3A_91] : memref<1001x64xf32, #tpu.memory_space<hbm>> -> memref<1x64xf32, #tpu.memory_space<hbm>>
      %dma_start3A_93 = arith.constant 0 : i32
      %dma_start3A_94 = tpu.memref_slice %arg16[%add3A_66, %dma_start3A_93] : memref<128x64xf32, #tpu.memory_space<vmem>> -> memref<1x64xf32, #tpu.memory_space<vmem>>
      %dma_start3A_95 = arith.constant 0 : i32
      %dma_start3A_96 = tpu.memref_slice %arg4[%squeeze3A_88, %dma_start3A_95] : memref<1001x64xf32, #tpu.memory_space<hbm>> -> memref<1x64xf32, #tpu.memory_space<hbm>>
      tpu.enqueue_dma source(%dma_start3A_96 : memref<1x64xf32, #tpu.memory_space<hbm>>) target(%dma_start3A_94 : memref<1x64xf32, #tpu.memory_space<vmem>>) target_semaphore(%arg18 : memref<!tpu.dma_semaphore, #tpu.memory_space<semaphore_mem>>)
      %add3A_97 = arith.constant 2 : i32
      %add3A_98 = arith.addi %add3A_26, %add3A_97 : i32
      %slice3A_99 = vector.extract_strided_slice %get3A_28 {offsets = [2], sizes = [1], strides = [1]} : vector<16xi32> to vector<1xi32>
      %squeeze3A_100 = vector.extract %slice3A_99[0] : i32 from vector<1xi32>
      %dma_start3A_101 = arith.constant 0 : i32
      %dma_start3A_102 = tpu.memref_slice %arg14[%add3A_98, %dma_start3A_101] : memref<128x64xf32, #tpu.memory_space<vmem>> -> memref<1x64xf32, #tpu.memory_space<vmem>>
      %dma_start3A_103 = arith.constant 0 : i32
      %dma_start3A_104 = tpu.memref_slice %arg2[%squeeze3A_100, %dma_start3A_103] : memref<100001x64xf32, #tpu.memory_space<hbm>> -> memref<1x64xf32, #tpu.memory_space<hbm>>
      %dma_start3A_105 = arith.constant 0 : i32
      %dma_start3A_106 = tpu.memref_slice %arg14[%add3A_98, %dma_start3A_105] : memref<128x64xf32, #tpu.memory_space<vmem>> -> memref<1x64xf32, #tpu.memory_space<vmem>>
      %dma_start3A_107 = arith.constant 0 : i32
      %dma_start3A_108 = tpu.memref_slice %arg2[%squeeze3A_100, %dma_start3A_107] : memref<100001x64xf32, #tpu.memory_space<hbm>> -> memref<1x64xf32, #tpu.memory_space<hbm>>
      tpu.enqueue_dma source(%dma_start3A_108 : memref<1x64xf32, #tpu.memory_space<hbm>>) target(%dma_start3A_106 : memref<1x64xf32, #tpu.memory_space<vmem>>) target_semaphore(%arg18 : memref<!tpu.dma_semaphore, #tpu.memory_space<semaphore_mem>>)
      %slice3A_109 = vector.extract_strided_slice %get3A_31 {offsets = [2], sizes = [1], strides = [1]} : vector<16xi32> to vector<1xi32>
      %squeeze3A_110 = vector.extract %slice3A_109[0] : i32 from vector<1xi32>
      %dma_start3A_111 = arith.constant 0 : i32
      %dma_start3A_112 = tpu.memref_slice %arg15[%add3A_98, %dma_start3A_111] : memref<128x64xf32, #tpu.memory_space<vmem>> -> memref<1x64xf32, #tpu.memory_space<vmem>>
      %dma_start3A_113 = arith.constant 0 : i32
      %dma_start3A_114 = tpu.memref_slice %arg3[%squeeze3A_110, %dma_start3A_113] : memref<100001x64xf32, #tpu.memory_space<hbm>> -> memref<1x64xf32, #tpu.memory_space<hbm>>
      %dma_start3A_115 = arith.constant 0 : i32
      %dma_start3A_116 = tpu.memref_slice %arg15[%add3A_98, %dma_start3A_115] : memref<128x64xf32, #tpu.memory_space<vmem>> -> memref<1x64xf32, #tpu.memory_space<vmem>>
      %dma_start3A_117 = arith.constant 0 : i32
      %dma_start3A_118 = tpu.memref_slice %arg3[%squeeze3A_110, %dma_start3A_117] : memref<100001x64xf32, #tpu.memory_space<hbm>> -> memref<1x64xf32, #tpu.memory_space<hbm>>
      tpu.enqueue_dma source(%dma_start3A_118 : memref<1x64xf32, #tpu.memory_space<hbm>>) target(%dma_start3A_116 : memref<1x64xf32, #tpu.memory_space<vmem>>) target_semaphore(%arg18 : memref<!tpu.dma_semaphore, #tpu.memory_space<semaphore_mem>>)
      %slice3A_119 = vector.extract_strided_slice %get3A_34 {offsets = [2], sizes = [1], strides = [1]} : vector<16xi32> to vector<1xi32>
      %squeeze3A_120 = vector.extract %slice3A_119[0] : i32 from vector<1xi32>
      %dma_start3A_121 = arith.constant 0 : i32
      %dma_start3A_122 = tpu.memref_slice %arg16[%add3A_98, %dma_start3A_121] : memref<128x64xf32, #tpu.memory_space<vmem>> -> memref<1x64xf32, #tpu.memory_space<vmem>>
      %dma_start3A_123 = arith.constant 0 : i32
      %dma_start3A_124 = tpu.memref_slice %arg4[%squeeze3A_120, %dma_start3A_123] : memref<1001x64xf32, #tpu.memory_space<hbm>> -> memref<1x64xf32, #tpu.memory_space<hbm>>
      %dma_start3A_125 = arith.constant 0 : i32
      %dma_start3A_126 = tpu.memref_slice %arg16[%add3A_98, %dma_start3A_125] : memref<128x64xf32, #tpu.memory_space<vmem>> -> memref<1x64xf32, #tpu.memory_space<vmem>>
      %dma_start3A_127 = arith.constant 0 : i32
      %dma_start3A_128 = tpu.memref_slice %arg4[%squeeze3A_120, %dma_start3A_127] : memref<1001x64xf32, #tpu.memory_space<hbm>> -> memref<1x64xf32, #tpu.memory_space<hbm>>
      tpu.enqueue_dma source(%dma_start3A_128 : memref<1x64xf32, #tpu.memory_space<hbm>>) target(%dma_start3A_126 : memref<1x64xf32, #tpu.memory_space<vmem>>) target_semaphore(%arg18 : memref<!tpu.dma_semaphore, #tpu.memory_space<semaphore_mem>>)
      %add3A_129 = arith.constant 3 : i32
      %add3A_130 = arith.addi %add3A_26, %add3A_129 : i32
      %slice3A_131 = vector.extract_strided_slice %get3A_28 {offsets = [3], sizes = [1], strides = [1]} : vector<16xi32> to vector<1xi32>
      %squeeze3A_132 = vector.extract %slice3A_131[0] : i32 from vector<1xi32>
      %dma_start3A_133 = arith.constant 0 : i32
      %dma_start3A_134 = tpu.memref_slice %arg14[%add3A_130, %dma_start3A_133] : memref<128x64xf32, #tpu.memory_space<vmem>> -> memref<1x64xf32, #tpu.memory_space<vmem>>
      %dma_start3A_135 = arith.constant 0 : i32
      %dma_start3A_136 = tpu.memref_slice %arg2[%squeeze3A_132, %dma_start3A_135] : memref<100001x64xf32, #tpu.memory_space<hbm>> -> memref<1x64xf32, #tpu.memory_space<hbm>>
      %dma_start3A_137 = arith.constant 0 : i32
      %dma_start3A_138 = tpu.memref_slice %arg14[%add3A_130, %dma_start3A_137] : memref<128x64xf32, #tpu.memory_space<vmem>> -> memref<1x64xf32, #tpu.memory_space<vmem>>
      %dma_start3A_139 = arith.constant 0 : i32
      %dma_start3A_140 = tpu.memref_slice %arg2[%squeeze3A_132, %dma_start3A_139] : memref<100001x64xf32, #tpu.memory_space<hbm>> -> memref<1x64xf32, #tpu.memory_space<hbm>>
      tpu.enqueue_dma source(%dma_start3A_140 : memref<1x64xf32, #tpu.memory_space<hbm>>) target(%dma_start3A_138 : memref<1x64xf32, #tpu.memory_space<vmem>>) target_semaphore(%arg18 : memref<!tpu.dma_semaphore, #tpu.memory_space<semaphore_mem>>)
      %slice3A_141 = vector.extract_strided_slice %get3A_31 {offsets = [3], sizes = [1], strides = [1]} : vector<16xi32> to vector<1xi32>
      %squeeze3A_142 = vector.extract %slice3A_141[0] : i32 from vector<1xi32>
      %dma_start3A_143 = arith.constant 0 : i32
      %dma_start3A_144 = tpu.memref_slice %arg15[%add3A_130, %dma_start3A_143] : memref<128x64xf32, #tpu.memory_space<vmem>> -> memref<1x64xf32, #tpu.memory_space<vmem>>
      %dma_start3A_145 = arith.constant 0 : i32
      %dma_start3A_146 = tpu.memref_slice %arg3[%squeeze3A_142, %dma_start3A_145] : memref<100001x64xf32, #tpu.memory_space<hbm>> -> memref<1x64xf32, #tpu.memory_space<hbm>>
      %dma_start3A_147 = arith.constant 0 : i32
      %dma_start3A_148 = tpu.memref_slice %arg15[%add3A_130, %dma_start3A_147] : memref<128x64xf32, #tpu.memory_space<vmem>> -> memref<1x64xf32, #tpu.memory_space<vmem>>
      %dma_start3A_149 = arith.constant 0 : i32
      %dma_start3A_150 = tpu.memref_slice %arg3[%squeeze3A_142, %dma_start3A_149] : memref<100001x64xf32, #tpu.memory_space<hbm>> -> memref<1x64xf32, #tpu.memory_space<hbm>>
      tpu.enqueue_dma source(%dma_start3A_150 : memref<1x64xf32, #tpu.memory_space<hbm>>) target(%dma_start3A_148 : memref<1x64xf32, #tpu.memory_space<vmem>>) target_semaphore(%arg18 : memref<!tpu.dma_semaphore, #tpu.memory_space<semaphore_mem>>)
      %slice3A_151 = vector.extract_strided_slice %get3A_34 {offsets = [3], sizes = [1], strides = [1]} : vector<16xi32> to vector<1xi32>
      %squeeze3A_152 = vector.extract %slice3A_151[0] : i32 from vector<1xi32>
      %dma_start3A_153 = arith.constant 0 : i32
      %dma_start3A_154 = tpu.memref_slice %arg16[%add3A_130, %dma_start3A_153] : memref<128x64xf32, #tpu.memory_space<vmem>> -> memref<1x64xf32, #tpu.memory_space<vmem>>
      %dma_start3A_155 = arith.constant 0 : i32
      %dma_start3A_156 = tpu.memref_slice %arg4[%squeeze3A_152, %dma_start3A_155] : memref<1001x64xf32, #tpu.memory_space<hbm>> -> memref<1x64xf32, #tpu.memory_space<hbm>>
      %dma_start3A_157 = arith.constant 0 : i32
      %dma_start3A_158 = tpu.memref_slice %arg16[%add3A_130, %dma_start3A_157] : memref<128x64xf32, #tpu.memory_space<vmem>> -> memref<1x64xf32, #tpu.memory_space<vmem>>
      %dma_start3A_159 = arith.constant 0 : i32
      %dma_start3A_160 = tpu.memref_slice %arg4[%squeeze3A_152, %dma_start3A_159] : memref<1001x64xf32, #tpu.memory_space<hbm>> -> memref<1x64xf32, #tpu.memory_space<hbm>>
      tpu.enqueue_dma source(%dma_start3A_160 : memref<1x64xf32, #tpu.memory_space<hbm>>) target(%dma_start3A_158 : memref<1x64xf32, #tpu.memory_space<vmem>>) target_semaphore(%arg18 : memref<!tpu.dma_semaphore, #tpu.memory_space<semaphore_mem>>)
      %add3A_161 = arith.constant 4 : i32
      %add3A_162 = arith.addi %add3A_26, %add3A_161 : i32
      %slice3A_163 = vector.extract_strided_slice %get3A_28 {offsets = [4], sizes = [1], strides = [1]} : vector<16xi32> to vector<1xi32>
      %squeeze3A_164 = vector.extract %slice3A_163[0] : i32 from vector<1xi32>
      %dma_start3A_165 = arith.constant 0 : i32
      %dma_start3A_166 = tpu.memref_slice %arg14[%add3A_162, %dma_start3A_165] : memref<128x64xf32, #tpu.memory_space<vmem>> -> memref<1x64xf32, #tpu.memory_space<vmem>>
      %dma_start3A_167 = arith.constant 0 : i32
      %dma_start3A_168 = tpu.memref_slice %arg2[%squeeze3A_164, %dma_start3A_167] : memref<100001x64xf32, #tpu.memory_space<hbm>> -> memref<1x64xf32, #tpu.memory_space<hbm>>
      %dma_start3A_169 = arith.constant 0 : i32
      %dma_start3A_170 = tpu.memref_slice %arg14[%add3A_162, %dma_start3A_169] : memref<128x64xf32, #tpu.memory_space<vmem>> -> memref<1x64xf32, #tpu.memory_space<vmem>>
      %dma_start3A_171 = arith.constant 0 : i32
      %dma_start3A_172 = tpu.memref_slice %arg2[%squeeze3A_164, %dma_start3A_171] : memref<100001x64xf32, #tpu.memory_space<hbm>> -> memref<1x64xf32, #tpu.memory_space<hbm>>
      tpu.enqueue_dma source(%dma_start3A_172 : memref<1x64xf32, #tpu.memory_space<hbm>>) target(%dma_start3A_170 : memref<1x64xf32, #tpu.memory_space<vmem>>) target_semaphore(%arg18 : memref<!tpu.dma_semaphore, #tpu.memory_space<semaphore_mem>>)
      %slice3A_173 = vector.extract_strided_slice %get3A_31 {offsets = [4], sizes = [1], strides = [1]} : vector<16xi32> to vector<1xi32>
      %squeeze3A_174 = vector.extract %slice3A_173[0] : i32 from vector<1xi32>
      %dma_start3A_175 = arith.constant 0 : i32
      %dma_start3A_176 = tpu.memref_slice %arg15[%add3A_162, %dma_start3A_175] : memref<128x64xf32, #tpu.memory_space<vmem>> -> memref<1x64xf32, #tpu.memory_space<vmem>>
      %dma_start3A_177 = arith.constant 0 : i32
      %dma_start3A_178 = tpu.memref_slice %arg3[%squeeze3A_174, %dma_start3A_177] : memref<100001x64xf32, #tpu.memory_space<hbm>> -> memref<1x64xf32, #tpu.memory_space<hbm>>
      %dma_start3A_179 = arith.constant 0 : i32
      %dma_start3A_180 = tpu.memref_slice %arg15[%add3A_162, %dma_start3A_179] : memref<128x64xf32, #tpu.memory_space<vmem>> -> memref<1x64xf32, #tpu.memory_space<vmem>>
      %dma_start3A_181 = arith.constant 0 : i32
      %dma_start3A_182 = tpu.memref_slice %arg3[%squeeze3A_174, %dma_start3A_181] : memref<100001x64xf32, #tpu.memory_space<hbm>> -> memref<1x64xf32, #tpu.memory_space<hbm>>
      tpu.enqueue_dma source(%dma_start3A_182 : memref<1x64xf32, #tpu.memory_space<hbm>>) target(%dma_start3A_180 : memref<1x64xf32, #tpu.memory_space<vmem>>) target_semaphore(%arg18 : memref<!tpu.dma_semaphore, #tpu.memory_space<semaphore_mem>>)
      %slice3A_183 = vector.extract_strided_slice %get3A_34 {offsets = [4], sizes = [1], strides = [1]} : vector<16xi32> to vector<1xi32>
      %squeeze3A_184 = vector.extract %slice3A_183[0] : i32 from vector<1xi32>
      %dma_start3A_185 = arith.constant 0 : i32
      %dma_start3A_186 = tpu.memref_slice %arg16[%add3A_162, %dma_start3A_185] : memref<128x64xf32, #tpu.memory_space<vmem>> -> memref<1x64xf32, #tpu.memory_space<vmem>>
      %dma_start3A_187 = arith.constant 0 : i32
      %dma_start3A_188 = tpu.memref_slice %arg4[%squeeze3A_184, %dma_start3A_187] : memref<1001x64xf32, #tpu.memory_space<hbm>> -> memref<1x64xf32, #tpu.memory_space<hbm>>
      %dma_start3A_189 = arith.constant 0 : i32
      %dma_start3A_190 = tpu.memref_slice %arg16[%add3A_162, %dma_start3A_189] : memref<128x64xf32, #tpu.memory_space<vmem>> -> memref<1x64xf32, #tpu.memory_space<vmem>>
      %dma_start3A_191 = arith.constant 0 : i32
      %dma_start3A_192 = tpu.memref_slice %arg4[%squeeze3A_184, %dma_start3A_191] : memref<1001x64xf32, #tpu.memory_space<hbm>> -> memref<1x64xf32, #tpu.memory_space<hbm>>
      tpu.enqueue_dma source(%dma_start3A_192 : memref<1x64xf32, #tpu.memory_space<hbm>>) target(%dma_start3A_190 : memref<1x64xf32, #tpu.memory_space<vmem>>) target_semaphore(%arg18 : memref<!tpu.dma_semaphore, #tpu.memory_space<semaphore_mem>>)
      %add3A_193 = arith.constant 5 : i32
      %add3A_194 = arith.addi %add3A_26, %add3A_193 : i32
      %slice3A_195 = vector.extract_strided_slice %get3A_28 {offsets = [5], sizes = [1], strides = [1]} : vector<16xi32> to vector<1xi32>
      %squeeze3A_196 = vector.extract %slice3A_195[0] : i32 from vector<1xi32>
      %dma_start3A_197 = arith.constant 0 : i32
      %dma_start3A_198 = tpu.memref_slice %arg14[%add3A_194, %dma_start3A_197] : memref<128x64xf32, #tpu.memory_space<vmem>> -> memref<1x64xf32, #tpu.memory_space<vmem>>
      %dma_start3A_199 = arith.constant 0 : i32
      %dma_start3A_200 = tpu.memref_slice %arg2[%squeeze3A_196, %dma_start3A_199] : memref<100001x64xf32, #tpu.memory_space<hbm>> -> memref<1x64xf32, #tpu.memory_space<hbm>>
      %dma_start3A_201 = arith.constant 0 : i32
      %dma_start3A_202 = tpu.memref_slice %arg14[%add3A_194, %dma_start3A_201] : memref<128x64xf32, #tpu.memory_space<vmem>> -> memref<1x64xf32, #tpu.memory_space<vmem>>
      %dma_start3A_203 = arith.constant 0 : i32
      %dma_start3A_204 = tpu.memref_slice %arg2[%squeeze3A_196, %dma_start3A_203] : memref<100001x64xf32, #tpu.memory_space<hbm>> -> memref<1x64xf32, #tpu.memory_space<hbm>>
      tpu.enqueue_dma source(%dma_start3A_204 : memref<1x64xf32, #tpu.memory_space<hbm>>) target(%dma_start3A_202 : memref<1x64xf32, #tpu.memory_space<vmem>>) target_semaphore(%arg18 : memref<!tpu.dma_semaphore, #tpu.memory_space<semaphore_mem>>)
      %slice3A_205 = vector.extract_strided_slice %get3A_31 {offsets = [5], sizes = [1], strides = [1]} : vector<16xi32> to vector<1xi32>
      %squeeze3A_206 = vector.extract %slice3A_205[0] : i32 from vector<1xi32>
      %dma_start3A_207 = arith.constant 0 : i32
      %dma_start3A_208 = tpu.memref_slice %arg15[%add3A_194, %dma_start3A_207] : memref<128x64xf32, #tpu.memory_space<vmem>> -> memref<1x64xf32, #tpu.memory_space<vmem>>
      %dma_start3A_209 = arith.constant 0 : i32
      %dma_start3A_210 = tpu.memref_slice %arg3[%squeeze3A_206, %dma_start3A_209] : memref<100001x64xf32, #tpu.memory_space<hbm>> -> memref<1x64xf32, #tpu.memory_space<hbm>>
      %dma_start3A_211 = arith.constant 0 : i32
      %dma_start3A_212 = tpu.memref_slice %arg15[%add3A_194, %dma_start3A_211] : memref<128x64xf32, #tpu.memory_space<vmem>> -> memref<1x64xf32, #tpu.memory_space<vmem>>
      %dma_start3A_213 = arith.constant 0 : i32
      %dma_start3A_214 = tpu.memref_slice %arg3[%squeeze3A_206, %dma_start3A_213] : memref<100001x64xf32, #tpu.memory_space<hbm>> -> memref<1x64xf32, #tpu.memory_space<hbm>>
      tpu.enqueue_dma source(%dma_start3A_214 : memref<1x64xf32, #tpu.memory_space<hbm>>) target(%dma_start3A_212 : memref<1x64xf32, #tpu.memory_space<vmem>>) target_semaphore(%arg18 : memref<!tpu.dma_semaphore, #tpu.memory_space<semaphore_mem>>)
      %slice3A_215 = vector.extract_strided_slice %get3A_34 {offsets = [5], sizes = [1], strides = [1]} : vector<16xi32> to vector<1xi32>
      %squeeze3A_216 = vector.extract %slice3A_215[0] : i32 from vector<1xi32>
      %dma_start3A_217 = arith.constant 0 : i32
      %dma_start3A_218 = tpu.memref_slice %arg16[%add3A_194, %dma_start3A_217] : memref<128x64xf32, #tpu.memory_space<vmem>> -> memref<1x64xf32, #tpu.memory_space<vmem>>
      %dma_start3A_219 = arith.constant 0 : i32
      %dma_start3A_220 = tpu.memref_slice %arg4[%squeeze3A_216, %dma_start3A_219] : memref<1001x64xf32, #tpu.memory_space<hbm>> -> memref<1x64xf32, #tpu.memory_space<hbm>>
      %dma_start3A_221 = arith.constant 0 : i32
      %dma_start3A_222 = tpu.memref_slice %arg16[%add3A_194, %dma_start3A_221] : memref<128x64xf32, #tpu.memory_space<vmem>> -> memref<1x64xf32, #tpu.memory_space<vmem>>
      %dma_start3A_223 = arith.constant 0 : i32
      %dma_start3A_224 = tpu.memref_slice %arg4[%squeeze3A_216, %dma_start3A_223] : memref<1001x64xf32, #tpu.memory_space<hbm>> -> memref<1x64xf32, #tpu.memory_space<hbm>>
      tpu.enqueue_dma source(%dma_start3A_224 : memref<1x64xf32, #tpu.memory_space<hbm>>) target(%dma_start3A_222 : memref<1x64xf32, #tpu.memory_space<vmem>>) target_semaphore(%arg18 : memref<!tpu.dma_semaphore, #tpu.memory_space<semaphore_mem>>)
      %add3A_225 = arith.constant 6 : i32
      %add3A_226 = arith.addi %add3A_26, %add3A_225 : i32
      %slice3A_227 = vector.extract_strided_slice %get3A_28 {offsets = [6], sizes = [1], strides = [1]} : vector<16xi32> to vector<1xi32>
      %squeeze3A_228 = vector.extract %slice3A_227[0] : i32 from vector<1xi32>
      %dma_start3A_229 = arith.constant 0 : i32
      %dma_start3A_230 = tpu.memref_slice %arg14[%add3A_226, %dma_start3A_229] : memref<128x64xf32, #tpu.memory_space<vmem>> -> memref<1x64xf32, #tpu.memory_space<vmem>>
      %dma_start3A_231 = arith.constant 0 : i32
      %dma_start3A_232 = tpu.memref_slice %arg2[%squeeze3A_228, %dma_start3A_231] : memref<100001x64xf32, #tpu.memory_space<hbm>> -> memref<1x64xf32, #tpu.memory_space<hbm>>
      %dma_start3A_233 = arith.constant 0 : i32
      %dma_start3A_234 = tpu.memref_slice %arg14[%add3A_226, %dma_start3A_233] : memref<128x64xf32, #tpu.memory_space<vmem>> -> memref<1x64xf32, #tpu.memory_space<vmem>>
      %dma_start3A_235 = arith.constant 0 : i32
      %dma_start3A_236 = tpu.memref_slice %arg2[%squeeze3A_228, %dma_start3A_235] : memref<100001x64xf32, #tpu.memory_space<hbm>> -> memref<1x64xf32, #tpu.memory_space<hbm>>
      tpu.enqueue_dma source(%dma_start3A_236 : memref<1x64xf32, #tpu.memory_space<hbm>>) target(%dma_start3A_234 : memref<1x64xf32, #tpu.memory_space<vmem>>) target_semaphore(%arg18 : memref<!tpu.dma_semaphore, #tpu.memory_space<semaphore_mem>>)
      %slice3A_237 = vector.extract_strided_slice %get3A_31 {offsets = [6], sizes = [1], strides = [1]} : vector<16xi32> to vector<1xi32>
      %squeeze3A_238 = vector.extract %slice3A_237[0] : i32 from vector<1xi32>
      %dma_start3A_239 = arith.constant 0 : i32
      %dma_start3A_240 = tpu.memref_slice %arg15[%add3A_226, %dma_start3A_239] : memref<128x64xf32, #tpu.memory_space<vmem>> -> memref<1x64xf32, #tpu.memory_space<vmem>>
      %dma_start3A_241 = arith.constant 0 : i32
      %dma_start3A_242 = tpu.memref_slice %arg3[%squeeze3A_238, %dma_start3A_241] : memref<100001x64xf32, #tpu.memory_space<hbm>> -> memref<1x64xf32, #tpu.memory_space<hbm>>
      %dma_start3A_243 = arith.constant 0 : i32
      %dma_start3A_244 = tpu.memref_slice %arg15[%add3A_226, %dma_start3A_243] : memref<128x64xf32, #tpu.memory_space<vmem>> -> memref<1x64xf32, #tpu.memory_space<vmem>>
      %dma_start3A_245 = arith.constant 0 : i32
      %dma_start3A_246 = tpu.memref_slice %arg3[%squeeze3A_238, %dma_start3A_245] : memref<100001x64xf32, #tpu.memory_space<hbm>> -> memref<1x64xf32, #tpu.memory_space<hbm>>
      tpu.enqueue_dma source(%dma_start3A_246 : memref<1x64xf32, #tpu.memory_space<hbm>>) target(%dma_start3A_244 : memref<1x64xf32, #tpu.memory_space<vmem>>) target_semaphore(%arg18 : memref<!tpu.dma_semaphore, #tpu.memory_space<semaphore_mem>>)
      %slice3A_247 = vector.extract_strided_slice %get3A_34 {offsets = [6], sizes = [1], strides = [1]} : vector<16xi32> to vector<1xi32>
      %squeeze3A_248 = vector.extract %slice3A_247[0] : i32 from vector<1xi32>
      %dma_start3A_249 = arith.constant 0 : i32
      %dma_start3A_250 = tpu.memref_slice %arg16[%add3A_226, %dma_start3A_249] : memref<128x64xf32, #tpu.memory_space<vmem>> -> memref<1x64xf32, #tpu.memory_space<vmem>>
      %dma_start3A_251 = arith.constant 0 : i32
      %dma_start3A_252 = tpu.memref_slice %arg4[%squeeze3A_248, %dma_start3A_251] : memref<1001x64xf32, #tpu.memory_space<hbm>> -> memref<1x64xf32, #tpu.memory_space<hbm>>
      %dma_start3A_253 = arith.constant 0 : i32
      %dma_start3A_254 = tpu.memref_slice %arg16[%add3A_226, %dma_start3A_253] : memref<128x64xf32, #tpu.memory_space<vmem>> -> memref<1x64xf32, #tpu.memory_space<vmem>>
      %dma_start3A_255 = arith.constant 0 : i32
      %dma_start3A_256 = tpu.memref_slice %arg4[%squeeze3A_248, %dma_start3A_255] : memref<1001x64xf32, #tpu.memory_space<hbm>> -> memref<1x64xf32, #tpu.memory_space<hbm>>
      tpu.enqueue_dma source(%dma_start3A_256 : memref<1x64xf32, #tpu.memory_space<hbm>>) target(%dma_start3A_254 : memref<1x64xf32, #tpu.memory_space<vmem>>) target_semaphore(%arg18 : memref<!tpu.dma_semaphore, #tpu.memory_space<semaphore_mem>>)
      %add3A_257 = arith.constant 7 : i32
      %add3A_258 = arith.addi %add3A_26, %add3A_257 : i32
      %slice3A_259 = vector.extract_strided_slice %get3A_28 {offsets = [7], sizes = [1], strides = [1]} : vector<16xi32> to vector<1xi32>
      %squeeze3A_260 = vector.extract %slice3A_259[0] : i32 from vector<1xi32>
      %dma_start3A_261 = arith.constant 0 : i32
      %dma_start3A_262 = tpu.memref_slice %arg14[%add3A_258, %dma_start3A_261] : memref<128x64xf32, #tpu.memory_space<vmem>> -> memref<1x64xf32, #tpu.memory_space<vmem>>
      %dma_start3A_263 = arith.constant 0 : i32
      %dma_start3A_264 = tpu.memref_slice %arg2[%squeeze3A_260, %dma_start3A_263] : memref<100001x64xf32, #tpu.memory_space<hbm>> -> memref<1x64xf32, #tpu.memory_space<hbm>>
      %dma_start3A_265 = arith.constant 0 : i32
      %dma_start3A_266 = tpu.memref_slice %arg14[%add3A_258, %dma_start3A_265] : memref<128x64xf32, #tpu.memory_space<vmem>> -> memref<1x64xf32, #tpu.memory_space<vmem>>
      %dma_start3A_267 = arith.constant 0 : i32
      %dma_start3A_268 = tpu.memref_slice %arg2[%squeeze3A_260, %dma_start3A_267] : memref<100001x64xf32, #tpu.memory_space<hbm>> -> memref<1x64xf32, #tpu.memory_space<hbm>>
      tpu.enqueue_dma source(%dma_start3A_268 : memref<1x64xf32, #tpu.memory_space<hbm>>) target(%dma_start3A_266 : memref<1x64xf32, #tpu.memory_space<vmem>>) target_semaphore(%arg18 : memref<!tpu.dma_semaphore, #tpu.memory_space<semaphore_mem>>)
      %slice3A_269 = vector.extract_strided_slice %get3A_31 {offsets = [7], sizes = [1], strides = [1]} : vector<16xi32> to vector<1xi32>
      %squeeze3A_270 = vector.extract %slice3A_269[0] : i32 from vector<1xi32>
      %dma_start3A_271 = arith.constant 0 : i32
      %dma_start3A_272 = tpu.memref_slice %arg15[%add3A_258, %dma_start3A_271] : memref<128x64xf32, #tpu.memory_space<vmem>> -> memref<1x64xf32, #tpu.memory_space<vmem>>
      %dma_start3A_273 = arith.constant 0 : i32
      %dma_start3A_274 = tpu.memref_slice %arg3[%squeeze3A_270, %dma_start3A_273] : memref<100001x64xf32, #tpu.memory_space<hbm>> -> memref<1x64xf32, #tpu.memory_space<hbm>>
      %dma_start3A_275 = arith.constant 0 : i32
      %dma_start3A_276 = tpu.memref_slice %arg15[%add3A_258, %dma_start3A_275] : memref<128x64xf32, #tpu.memory_space<vmem>> -> memref<1x64xf32, #tpu.memory_space<vmem>>
      %dma_start3A_277 = arith.constant 0 : i32
      %dma_start3A_278 = tpu.memref_slice %arg3[%squeeze3A_270, %dma_start3A_277] : memref<100001x64xf32, #tpu.memory_space<hbm>> -> memref<1x64xf32, #tpu.memory_space<hbm>>
      tpu.enqueue_dma source(%dma_start3A_278 : memref<1x64xf32, #tpu.memory_space<hbm>>) target(%dma_start3A_276 : memref<1x64xf32, #tpu.memory_space<vmem>>) target_semaphore(%arg18 : memref<!tpu.dma_semaphore, #tpu.memory_space<semaphore_mem>>)
      %slice3A_279 = vector.extract_strided_slice %get3A_34 {offsets = [7], sizes = [1], strides = [1]} : vector<16xi32> to vector<1xi32>
      %squeeze3A_280 = vector.extract %slice3A_279[0] : i32 from vector<1xi32>
      %dma_start3A_281 = arith.constant 0 : i32
      %dma_start3A_282 = tpu.memref_slice %arg16[%add3A_258, %dma_start3A_281] : memref<128x64xf32, #tpu.memory_space<vmem>> -> memref<1x64xf32, #tpu.memory_space<vmem>>
      %dma_start3A_283 = arith.constant 0 : i32
      %dma_start3A_284 = tpu.memref_slice %arg4[%squeeze3A_280, %dma_start3A_283] : memref<1001x64xf32, #tpu.memory_space<hbm>> -> memref<1x64xf32, #tpu.memory_space<hbm>>
      %dma_start3A_285 = arith.constant 0 : i32
      %dma_start3A_286 = tpu.memref_slice %arg16[%add3A_258, %dma_start3A_285] : memref<128x64xf32, #tpu.memory_space<vmem>> -> memref<1x64xf32, #tpu.memory_space<vmem>>
      %dma_start3A_287 = arith.constant 0 : i32
      %dma_start3A_288 = tpu.memref_slice %arg4[%squeeze3A_280, %dma_start3A_287] : memref<1001x64xf32, #tpu.memory_space<hbm>> -> memref<1x64xf32, #tpu.memory_space<hbm>>
      tpu.enqueue_dma source(%dma_start3A_288 : memref<1x64xf32, #tpu.memory_space<hbm>>) target(%dma_start3A_286 : memref<1x64xf32, #tpu.memory_space<vmem>>) target_semaphore(%arg18 : memref<!tpu.dma_semaphore, #tpu.memory_space<semaphore_mem>>)
      %add3A_289 = arith.constant 8 : i32
      %add3A_290 = arith.addi %add3A_26, %add3A_289 : i32
      %slice3A_291 = vector.extract_strided_slice %get3A_28 {offsets = [8], sizes = [1], strides = [1]} : vector<16xi32> to vector<1xi32>
      %squeeze3A_292 = vector.extract %slice3A_291[0] : i32 from vector<1xi32>
      %dma_start3A_293 = arith.constant 0 : i32
      %dma_start3A_294 = tpu.memref_slice %arg14[%add3A_290, %dma_start3A_293] : memref<128x64xf32, #tpu.memory_space<vmem>> -> memref<1x64xf32, #tpu.memory_space<vmem>>
      %dma_start3A_295 = arith.constant 0 : i32
      %dma_start3A_296 = tpu.memref_slice %arg2[%squeeze3A_292, %dma_start3A_295] : memref<100001x64xf32, #tpu.memory_space<hbm>> -> memref<1x64xf32, #tpu.memory_space<hbm>>
      %dma_start3A_297 = arith.constant 0 : i32
      %dma_start3A_298 = tpu.memref_slice %arg14[%add3A_290, %dma_start3A_297] : memref<128x64xf32, #tpu.memory_space<vmem>> -> memref<1x64xf32, #tpu.memory_space<vmem>>
      %dma_start3A_299 = arith.constant 0 : i32
      %dma_start3A_300 = tpu.memref_slice %arg2[%squeeze3A_292, %dma_start3A_299] : memref<100001x64xf32, #tpu.memory_space<hbm>> -> memref<1x64xf32, #tpu.memory_space<hbm>>
      tpu.enqueue_dma source(%dma_start3A_300 : memref<1x64xf32, #tpu.memory_space<hbm>>) target(%dma_start3A_298 : memref<1x64xf32, #tpu.memory_space<vmem>>) target_semaphore(%arg18 : memref<!tpu.dma_semaphore, #tpu.memory_space<semaphore_mem>>)
      %slice3A_301 = vector.extract_strided_slice %get3A_31 {offsets = [8], sizes = [1], strides = [1]} : vector<16xi32> to vector<1xi32>
      %squeeze3A_302 = vector.extract %slice3A_301[0] : i32 from vector<1xi32>
      %dma_start3A_303 = arith.constant 0 : i32
      %dma_start3A_304 = tpu.memref_slice %arg15[%add3A_290, %dma_start3A_303] : memref<128x64xf32, #tpu.memory_space<vmem>> -> memref<1x64xf32, #tpu.memory_space<vmem>>
      %dma_start3A_305 = arith.constant 0 : i32
      %dma_start3A_306 = tpu.memref_slice %arg3[%squeeze3A_302, %dma_start3A_305] : memref<100001x64xf32, #tpu.memory_space<hbm>> -> memref<1x64xf32, #tpu.memory_space<hbm>>
      %dma_start3A_307 = arith.constant 0 : i32
      %dma_start3A_308 = tpu.memref_slice %arg15[%add3A_290, %dma_start3A_307] : memref<128x64xf32, #tpu.memory_space<vmem>> -> memref<1x64xf32, #tpu.memory_space<vmem>>
      %dma_start3A_309 = arith.constant 0 : i32
      %dma_start3A_310 = tpu.memref_slice %arg3[%squeeze3A_302, %dma_start3A_309] : memref<100001x64xf32, #tpu.memory_space<hbm>> -> memref<1x64xf32, #tpu.memory_space<hbm>>
      tpu.enqueue_dma source(%dma_start3A_310 : memref<1x64xf32, #tpu.memory_space<hbm>>) target(%dma_start3A_308 : memref<1x64xf32, #tpu.memory_space<vmem>>) target_semaphore(%arg18 : memref<!tpu.dma_semaphore, #tpu.memory_space<semaphore_mem>>)
      %slice3A_311 = vector.extract_strided_slice %get3A_34 {offsets = [8], sizes = [1], strides = [1]} : vector<16xi32> to vector<1xi32>
      %squeeze3A_312 = vector.extract %slice3A_311[0] : i32 from vector<1xi32>
      %dma_start3A_313 = arith.constant 0 : i32
      %dma_start3A_314 = tpu.memref_slice %arg16[%add3A_290, %dma_start3A_313] : memref<128x64xf32, #tpu.memory_space<vmem>> -> memref<1x64xf32, #tpu.memory_space<vmem>>
      %dma_start3A_315 = arith.constant 0 : i32
      %dma_start3A_316 = tpu.memref_slice %arg4[%squeeze3A_312, %dma_start3A_315] : memref<1001x64xf32, #tpu.memory_space<hbm>> -> memref<1x64xf32, #tpu.memory_space<hbm>>
      %dma_start3A_317 = arith.constant 0 : i32
      %dma_start3A_318 = tpu.memref_slice %arg16[%add3A_290, %dma_start3A_317] : memref<128x64xf32, #tpu.memory_space<vmem>> -> memref<1x64xf32, #tpu.memory_space<vmem>>
      %dma_start3A_319 = arith.constant 0 : i32
      %dma_start3A_320 = tpu.memref_slice %arg4[%squeeze3A_312, %dma_start3A_319] : memref<1001x64xf32, #tpu.memory_space<hbm>> -> memref<1x64xf32, #tpu.memory_space<hbm>>
      tpu.enqueue_dma source(%dma_start3A_320 : memref<1x64xf32, #tpu.memory_space<hbm>>) target(%dma_start3A_318 : memref<1x64xf32, #tpu.memory_space<vmem>>) target_semaphore(%arg18 : memref<!tpu.dma_semaphore, #tpu.memory_space<semaphore_mem>>)
      %add3A_321 = arith.constant 9 : i32
      %add3A_322 = arith.addi %add3A_26, %add3A_321 : i32
      %slice3A_323 = vector.extract_strided_slice %get3A_28 {offsets = [9], sizes = [1], strides = [1]} : vector<16xi32> to vector<1xi32>
      %squeeze3A_324 = vector.extract %slice3A_323[0] : i32 from vector<1xi32>
      %dma_start3A_325 = arith.constant 0 : i32
      %dma_start3A_326 = tpu.memref_slice %arg14[%add3A_322, %dma_start3A_325] : memref<128x64xf32, #tpu.memory_space<vmem>> -> memref<1x64xf32, #tpu.memory_space<vmem>>
      %dma_start3A_327 = arith.constant 0 : i32
      %dma_start3A_328 = tpu.memref_slice %arg2[%squeeze3A_324, %dma_start3A_327] : memref<100001x64xf32, #tpu.memory_space<hbm>> -> memref<1x64xf32, #tpu.memory_space<hbm>>
      %dma_start3A_329 = arith.constant 0 : i32
      %dma_start3A_330 = tpu.memref_slice %arg14[%add3A_322, %dma_start3A_329] : memref<128x64xf32, #tpu.memory_space<vmem>> -> memref<1x64xf32, #tpu.memory_space<vmem>>
      %dma_start3A_331 = arith.constant 0 : i32
      %dma_start3A_332 = tpu.memref_slice %arg2[%squeeze3A_324, %dma_start3A_331] : memref<100001x64xf32, #tpu.memory_space<hbm>> -> memref<1x64xf32, #tpu.memory_space<hbm>>
      tpu.enqueue_dma source(%dma_start3A_332 : memref<1x64xf32, #tpu.memory_space<hbm>>) target(%dma_start3A_330 : memref<1x64xf32, #tpu.memory_space<vmem>>) target_semaphore(%arg18 : memref<!tpu.dma_semaphore, #tpu.memory_space<semaphore_mem>>)
      %slice3A_333 = vector.extract_strided_slice %get3A_31 {offsets = [9], sizes = [1], strides = [1]} : vector<16xi32> to vector<1xi32>
      %squeeze3A_334 = vector.extract %slice3A_333[0] : i32 from vector<1xi32>
      %dma_start3A_335 = arith.constant 0 : i32
      %dma_start3A_336 = tpu.memref_slice %arg15[%add3A_322, %dma_start3A_335] : memref<128x64xf32, #tpu.memory_space<vmem>> -> memref<1x64xf32, #tpu.memory_space<vmem>>
      %dma_start3A_337 = arith.constant 0 : i32
      %dma_start3A_338 = tpu.memref_slice %arg3[%squeeze3A_334, %dma_start3A_337] : memref<100001x64xf32, #tpu.memory_space<hbm>> -> memref<1x64xf32, #tpu.memory_space<hbm>>
      %dma_start3A_339 = arith.constant 0 : i32
      %dma_start3A_340 = tpu.memref_slice %arg15[%add3A_322, %dma_start3A_339] : memref<128x64xf32, #tpu.memory_space<vmem>> -> memref<1x64xf32, #tpu.memory_space<vmem>>
      %dma_start3A_341 = arith.constant 0 : i32
      %dma_start3A_342 = tpu.memref_slice %arg3[%squeeze3A_334, %dma_start3A_341] : memref<100001x64xf32, #tpu.memory_space<hbm>> -> memref<1x64xf32, #tpu.memory_space<hbm>>
      tpu.enqueue_dma source(%dma_start3A_342 : memref<1x64xf32, #tpu.memory_space<hbm>>) target(%dma_start3A_340 : memref<1x64xf32, #tpu.memory_space<vmem>>) target_semaphore(%arg18 : memref<!tpu.dma_semaphore, #tpu.memory_space<semaphore_mem>>)
      %slice3A_343 = vector.extract_strided_slice %get3A_34 {offsets = [9], sizes = [1], strides = [1]} : vector<16xi32> to vector<1xi32>
      %squeeze3A_344 = vector.extract %slice3A_343[0] : i32 from vector<1xi32>
      %dma_start3A_345 = arith.constant 0 : i32
      %dma_start3A_346 = tpu.memref_slice %arg16[%add3A_322, %dma_start3A_345] : memref<128x64xf32, #tpu.memory_space<vmem>> -> memref<1x64xf32, #tpu.memory_space<vmem>>
      %dma_start3A_347 = arith.constant 0 : i32
      %dma_start3A_348 = tpu.memref_slice %arg4[%squeeze3A_344, %dma_start3A_347] : memref<1001x64xf32, #tpu.memory_space<hbm>> -> memref<1x64xf32, #tpu.memory_space<hbm>>
      %dma_start3A_349 = arith.constant 0 : i32
      %dma_start3A_350 = tpu.memref_slice %arg16[%add3A_322, %dma_start3A_349] : memref<128x64xf32, #tpu.memory_space<vmem>> -> memref<1x64xf32, #tpu.memory_space<vmem>>
      %dma_start3A_351 = arith.constant 0 : i32
      %dma_start3A_352 = tpu.memref_slice %arg4[%squeeze3A_344, %dma_start3A_351] : memref<1001x64xf32, #tpu.memory_space<hbm>> -> memref<1x64xf32, #tpu.memory_space<hbm>>
      tpu.enqueue_dma source(%dma_start3A_352 : memref<1x64xf32, #tpu.memory_space<hbm>>) target(%dma_start3A_350 : memref<1x64xf32, #tpu.memory_space<vmem>>) target_semaphore(%arg18 : memref<!tpu.dma_semaphore, #tpu.memory_space<semaphore_mem>>)
      %add3A_353 = arith.constant 10 : i32
      %add3A_354 = arith.addi %add3A_26, %add3A_353 : i32
      %slice3A_355 = vector.extract_strided_slice %get3A_28 {offsets = [10], sizes = [1], strides = [1]} : vector<16xi32> to vector<1xi32>
      %squeeze3A_356 = vector.extract %slice3A_355[0] : i32 from vector<1xi32>
      %dma_start3A_357 = arith.constant 0 : i32
      %dma_start3A_358 = tpu.memref_slice %arg14[%add3A_354, %dma_start3A_357] : memref<128x64xf32, #tpu.memory_space<vmem>> -> memref<1x64xf32, #tpu.memory_space<vmem>>
      %dma_start3A_359 = arith.constant 0 : i32
      %dma_start3A_360 = tpu.memref_slice %arg2[%squeeze3A_356, %dma_start3A_359] : memref<100001x64xf32, #tpu.memory_space<hbm>> -> memref<1x64xf32, #tpu.memory_space<hbm>>
      %dma_start3A_361 = arith.constant 0 : i32
      %dma_start3A_362 = tpu.memref_slice %arg14[%add3A_354, %dma_start3A_361] : memref<128x64xf32, #tpu.memory_space<vmem>> -> memref<1x64xf32, #tpu.memory_space<vmem>>
      %dma_start3A_363 = arith.constant 0 : i32
      %dma_start3A_364 = tpu.memref_slice %arg2[%squeeze3A_356, %dma_start3A_363] : memref<100001x64xf32, #tpu.memory_space<hbm>> -> memref<1x64xf32, #tpu.memory_space<hbm>>
      tpu.enqueue_dma source(%dma_start3A_364 : memref<1x64xf32, #tpu.memory_space<hbm>>) target(%dma_start3A_362 : memref<1x64xf32, #tpu.memory_space<vmem>>) target_semaphore(%arg18 : memref<!tpu.dma_semaphore, #tpu.memory_space<semaphore_mem>>)
      %slice3A_365 = vector.extract_strided_slice %get3A_31 {offsets = [10], sizes = [1], strides = [1]} : vector<16xi32> to vector<1xi32>
      %squeeze3A_366 = vector.extract %slice3A_365[0] : i32 from vector<1xi32>
      %dma_start3A_367 = arith.constant 0 : i32
      %dma_start3A_368 = tpu.memref_slice %arg15[%add3A_354, %dma_start3A_367] : memref<128x64xf32, #tpu.memory_space<vmem>> -> memref<1x64xf32, #tpu.memory_space<vmem>>
      %dma_start3A_369 = arith.constant 0 : i32
      %dma_start3A_370 = tpu.memref_slice %arg3[%squeeze3A_366, %dma_start3A_369] : memref<100001x64xf32, #tpu.memory_space<hbm>> -> memref<1x64xf32, #tpu.memory_space<hbm>>
      %dma_start3A_371 = arith.constant 0 : i32
      %dma_start3A_372 = tpu.memref_slice %arg15[%add3A_354, %dma_start3A_371] : memref<128x64xf32, #tpu.memory_space<vmem>> -> memref<1x64xf32, #tpu.memory_space<vmem>>
      %dma_start3A_373 = arith.constant 0 : i32
      %dma_start3A_374 = tpu.memref_slice %arg3[%squeeze3A_366, %dma_start3A_373] : memref<100001x64xf32, #tpu.memory_space<hbm>> -> memref<1x64xf32, #tpu.memory_space<hbm>>
      tpu.enqueue_dma source(%dma_start3A_374 : memref<1x64xf32, #tpu.memory_space<hbm>>) target(%dma_start3A_372 : memref<1x64xf32, #tpu.memory_space<vmem>>) target_semaphore(%arg18 : memref<!tpu.dma_semaphore, #tpu.memory_space<semaphore_mem>>)
      %slice3A_375 = vector.extract_strided_slice %get3A_34 {offsets = [10], sizes = [1], strides = [1]} : vector<16xi32> to vector<1xi32>
      %squeeze3A_376 = vector.extract %slice3A_375[0] : i32 from vector<1xi32>
      %dma_start3A_377 = arith.constant 0 : i32
      %dma_start3A_378 = tpu.memref_slice %arg16[%add3A_354, %dma_start3A_377] : memref<128x64xf32, #tpu.memory_space<vmem>> -> memref<1x64xf32, #tpu.memory_space<vmem>>
      %dma_start3A_379 = arith.constant 0 : i32
      %dma_start3A_380 = tpu.memref_slice %arg4[%squeeze3A_376, %dma_start3A_379] : memref<1001x64xf32, #tpu.memory_space<hbm>> -> memref<1x64xf32, #tpu.memory_space<hbm>>
      %dma_start3A_381 = arith.constant 0 : i32
      %dma_start3A_382 = tpu.memref_slice %arg16[%add3A_354, %dma_start3A_381] : memref<128x64xf32, #tpu.memory_space<vmem>> -> memref<1x64xf32, #tpu.memory_space<vmem>>
      %dma_start3A_383 = arith.constant 0 : i32
      %dma_start3A_384 = tpu.memref_slice %arg4[%squeeze3A_376, %dma_start3A_383] : memref<1001x64xf32, #tpu.memory_space<hbm>> -> memref<1x64xf32, #tpu.memory_space<hbm>>
      tpu.enqueue_dma source(%dma_start3A_384 : memref<1x64xf32, #tpu.memory_space<hbm>>) target(%dma_start3A_382 : memref<1x64xf32, #tpu.memory_space<vmem>>) target_semaphore(%arg18 : memref<!tpu.dma_semaphore, #tpu.memory_space<semaphore_mem>>)
      %add3A_385 = arith.constant 11 : i32
      %add3A_386 = arith.addi %add3A_26, %add3A_385 : i32
      %slice3A_387 = vector.extract_strided_slice %get3A_28 {offsets = [11], sizes = [1], strides = [1]} : vector<16xi32> to vector<1xi32>
      %squeeze3A_388 = vector.extract %slice3A_387[0] : i32 from vector<1xi32>
      %dma_start3A_389 = arith.constant 0 : i32
      %dma_start3A_390 = tpu.memref_slice %arg14[%add3A_386, %dma_start3A_389] : memref<128x64xf32, #tpu.memory_space<vmem>> -> memref<1x64xf32, #tpu.memory_space<vmem>>
      %dma_start3A_391 = arith.constant 0 : i32
      %dma_start3A_392 = tpu.memref_slice %arg2[%squeeze3A_388, %dma_start3A_391] : memref<100001x64xf32, #tpu.memory_space<hbm>> -> memref<1x64xf32, #tpu.memory_space<hbm>>
      %dma_start3A_393 = arith.constant 0 : i32
      %dma_start3A_394 = tpu.memref_slice %arg14[%add3A_386, %dma_start3A_393] : memref<128x64xf32, #tpu.memory_space<vmem>> -> memref<1x64xf32, #tpu.memory_space<vmem>>
      %dma_start3A_395 = arith.constant 0 : i32
      %dma_start3A_396 = tpu.memref_slice %arg2[%squeeze3A_388, %dma_start3A_395] : memref<100001x64xf32, #tpu.memory_space<hbm>> -> memref<1x64xf32, #tpu.memory_space<hbm>>
      tpu.enqueue_dma source(%dma_start3A_396 : memref<1x64xf32, #tpu.memory_space<hbm>>) target(%dma_start3A_394 : memref<1x64xf32, #tpu.memory_space<vmem>>) target_semaphore(%arg18 : memref<!tpu.dma_semaphore, #tpu.memory_space<semaphore_mem>>)
      %slice3A_397 = vector.extract_strided_slice %get3A_31 {offsets = [11], sizes = [1], strides = [1]} : vector<16xi32> to vector<1xi32>
      %squeeze3A_398 = vector.extract %slice3A_397[0] : i32 from vector<1xi32>
      %dma_start3A_399 = arith.constant 0 : i32
      %dma_start3A_400 = tpu.memref_slice %arg15[%add3A_386, %dma_start3A_399] : memref<128x64xf32, #tpu.memory_space<vmem>> -> memref<1x64xf32, #tpu.memory_space<vmem>>
      %dma_start3A_401 = arith.constant 0 : i32
      %dma_start3A_402 = tpu.memref_slice %arg3[%squeeze3A_398, %dma_start3A_401] : memref<100001x64xf32, #tpu.memory_space<hbm>> -> memref<1x64xf32, #tpu.memory_space<hbm>>
      %dma_start3A_403 = arith.constant 0 : i32
      %dma_start3A_404 = tpu.memref_slice %arg15[%add3A_386, %dma_start3A_403] : memref<128x64xf32, #tpu.memory_space<vmem>> -> memref<1x64xf32, #tpu.memory_space<vmem>>
      %dma_start3A_405 = arith.constant 0 : i32
      %dma_start3A_406 = tpu.memref_slice %arg3[%squeeze3A_398, %dma_start3A_405] : memref<100001x64xf32, #tpu.memory_space<hbm>> -> memref<1x64xf32, #tpu.memory_space<hbm>>
      tpu.enqueue_dma source(%dma_start3A_406 : memref<1x64xf32, #tpu.memory_space<hbm>>) target(%dma_start3A_404 : memref<1x64xf32, #tpu.memory_space<vmem>>) target_semaphore(%arg18 : memref<!tpu.dma_semaphore, #tpu.memory_space<semaphore_mem>>)
      %slice3A_407 = vector.extract_strided_slice %get3A_34 {offsets = [11], sizes = [1], strides = [1]} : vector<16xi32> to vector<1xi32>
      %squeeze3A_408 = vector.extract %slice3A_407[0] : i32 from vector<1xi32>
      %dma_start3A_409 = arith.constant 0 : i32
      %dma_start3A_410 = tpu.memref_slice %arg16[%add3A_386, %dma_start3A_409] : memref<128x64xf32, #tpu.memory_space<vmem>> -> memref<1x64xf32, #tpu.memory_space<vmem>>
      %dma_start3A_411 = arith.constant 0 : i32
      %dma_start3A_412 = tpu.memref_slice %arg4[%squeeze3A_408, %dma_start3A_411] : memref<1001x64xf32, #tpu.memory_space<hbm>> -> memref<1x64xf32, #tpu.memory_space<hbm>>
      %dma_start3A_413 = arith.constant 0 : i32
      %dma_start3A_414 = tpu.memref_slice %arg16[%add3A_386, %dma_start3A_413] : memref<128x64xf32, #tpu.memory_space<vmem>> -> memref<1x64xf32, #tpu.memory_space<vmem>>
      %dma_start3A_415 = arith.constant 0 : i32
      %dma_start3A_416 = tpu.memref_slice %arg4[%squeeze3A_408, %dma_start3A_415] : memref<1001x64xf32, #tpu.memory_space<hbm>> -> memref<1x64xf32, #tpu.memory_space<hbm>>
      tpu.enqueue_dma source(%dma_start3A_416 : memref<1x64xf32, #tpu.memory_space<hbm>>) target(%dma_start3A_414 : memref<1x64xf32, #tpu.memory_space<vmem>>) target_semaphore(%arg18 : memref<!tpu.dma_semaphore, #tpu.memory_space<semaphore_mem>>)
      %add3A_417 = arith.constant 12 : i32
      %add3A_418 = arith.addi %add3A_26, %add3A_417 : i32
      %slice3A_419 = vector.extract_strided_slice %get3A_28 {offsets = [12], sizes = [1], strides = [1]} : vector<16xi32> to vector<1xi32>
      %squeeze3A_420 = vector.extract %slice3A_419[0] : i32 from vector<1xi32>
      %dma_start3A_421 = arith.constant 0 : i32
      %dma_start3A_422 = tpu.memref_slice %arg14[%add3A_418, %dma_start3A_421] : memref<128x64xf32, #tpu.memory_space<vmem>> -> memref<1x64xf32, #tpu.memory_space<vmem>>
      %dma_start3A_423 = arith.constant 0 : i32
      %dma_start3A_424 = tpu.memref_slice %arg2[%squeeze3A_420, %dma_start3A_423] : memref<100001x64xf32, #tpu.memory_space<hbm>> -> memref<1x64xf32, #tpu.memory_space<hbm>>
      %dma_start3A_425 = arith.constant 0 : i32
      %dma_start3A_426 = tpu.memref_slice %arg14[%add3A_418, %dma_start3A_425] : memref<128x64xf32, #tpu.memory_space<vmem>> -> memref<1x64xf32, #tpu.memory_space<vmem>>
      %dma_start3A_427 = arith.constant 0 : i32
      %dma_start3A_428 = tpu.memref_slice %arg2[%squeeze3A_420, %dma_start3A_427] : memref<100001x64xf32, #tpu.memory_space<hbm>> -> memref<1x64xf32, #tpu.memory_space<hbm>>
      tpu.enqueue_dma source(%dma_start3A_428 : memref<1x64xf32, #tpu.memory_space<hbm>>) target(%dma_start3A_426 : memref<1x64xf32, #tpu.memory_space<vmem>>) target_semaphore(%arg18 : memref<!tpu.dma_semaphore, #tpu.memory_space<semaphore_mem>>)
      %slice3A_429 = vector.extract_strided_slice %get3A_31 {offsets = [12], sizes = [1], strides = [1]} : vector<16xi32> to vector<1xi32>
      %squeeze3A_430 = vector.extract %slice3A_429[0] : i32 from vector<1xi32>
      %dma_start3A_431 = arith.constant 0 : i32
      %dma_start3A_432 = tpu.memref_slice %arg15[%add3A_418, %dma_start3A_431] : memref<128x64xf32, #tpu.memory_space<vmem>> -> memref<1x64xf32, #tpu.memory_space<vmem>>
      %dma_start3A_433 = arith.constant 0 : i32
      %dma_start3A_434 = tpu.memref_slice %arg3[%squeeze3A_430, %dma_start3A_433] : memref<100001x64xf32, #tpu.memory_space<hbm>> -> memref<1x64xf32, #tpu.memory_space<hbm>>
      %dma_start3A_435 = arith.constant 0 : i32
      %dma_start3A_436 = tpu.memref_slice %arg15[%add3A_418, %dma_start3A_435] : memref<128x64xf32, #tpu.memory_space<vmem>> -> memref<1x64xf32, #tpu.memory_space<vmem>>
      %dma_start3A_437 = arith.constant 0 : i32
      %dma_start3A_438 = tpu.memref_slice %arg3[%squeeze3A_430, %dma_start3A_437] : memref<100001x64xf32, #tpu.memory_space<hbm>> -> memref<1x64xf32, #tpu.memory_space<hbm>>
      tpu.enqueue_dma source(%dma_start3A_438 : memref<1x64xf32, #tpu.memory_space<hbm>>) target(%dma_start3A_436 : memref<1x64xf32, #tpu.memory_space<vmem>>) target_semaphore(%arg18 : memref<!tpu.dma_semaphore, #tpu.memory_space<semaphore_mem>>)
      %slice3A_439 = vector.extract_strided_slice %get3A_34 {offsets = [12], sizes = [1], strides = [1]} : vector<16xi32> to vector<1xi32>
      %squeeze3A_440 = vector.extract %slice3A_439[0] : i32 from vector<1xi32>
      %dma_start3A_441 = arith.constant 0 : i32
      %dma_start3A_442 = tpu.memref_slice %arg16[%add3A_418, %dma_start3A_441] : memref<128x64xf32, #tpu.memory_space<vmem>> -> memref<1x64xf32, #tpu.memory_space<vmem>>
      %dma_start3A_443 = arith.constant 0 : i32
      %dma_start3A_444 = tpu.memref_slice %arg4[%squeeze3A_440, %dma_start3A_443] : memref<1001x64xf32, #tpu.memory_space<hbm>> -> memref<1x64xf32, #tpu.memory_space<hbm>>
      %dma_start3A_445 = arith.constant 0 : i32
      %dma_start3A_446 = tpu.memref_slice %arg16[%add3A_418, %dma_start3A_445] : memref<128x64xf32, #tpu.memory_space<vmem>> -> memref<1x64xf32, #tpu.memory_space<vmem>>
      %dma_start3A_447 = arith.constant 0 : i32
      %dma_start3A_448 = tpu.memref_slice %arg4[%squeeze3A_440, %dma_start3A_447] : memref<1001x64xf32, #tpu.memory_space<hbm>> -> memref<1x64xf32, #tpu.memory_space<hbm>>
      tpu.enqueue_dma source(%dma_start3A_448 : memref<1x64xf32, #tpu.memory_space<hbm>>) target(%dma_start3A_446 : memref<1x64xf32, #tpu.memory_space<vmem>>) target_semaphore(%arg18 : memref<!tpu.dma_semaphore, #tpu.memory_space<semaphore_mem>>)
      %add3A_449 = arith.constant 13 : i32
      %add3A_450 = arith.addi %add3A_26, %add3A_449 : i32
      %slice3A_451 = vector.extract_strided_slice %get3A_28 {offsets = [13], sizes = [1], strides = [1]} : vector<16xi32> to vector<1xi32>
      %squeeze3A_452 = vector.extract %slice3A_451[0] : i32 from vector<1xi32>
      %dma_start3A_453 = arith.constant 0 : i32
      %dma_start3A_454 = tpu.memref_slice %arg14[%add3A_450, %dma_start3A_453] : memref<128x64xf32, #tpu.memory_space<vmem>> -> memref<1x64xf32, #tpu.memory_space<vmem>>
      %dma_start3A_455 = arith.constant 0 : i32
      %dma_start3A_456 = tpu.memref_slice %arg2[%squeeze3A_452, %dma_start3A_455] : memref<100001x64xf32, #tpu.memory_space<hbm>> -> memref<1x64xf32, #tpu.memory_space<hbm>>
      %dma_start3A_457 = arith.constant 0 : i32
      %dma_start3A_458 = tpu.memref_slice %arg14[%add3A_450, %dma_start3A_457] : memref<128x64xf32, #tpu.memory_space<vmem>> -> memref<1x64xf32, #tpu.memory_space<vmem>>
      %dma_start3A_459 = arith.constant 0 : i32
      %dma_start3A_460 = tpu.memref_slice %arg2[%squeeze3A_452, %dma_start3A_459] : memref<100001x64xf32, #tpu.memory_space<hbm>> -> memref<1x64xf32, #tpu.memory_space<hbm>>
      tpu.enqueue_dma source(%dma_start3A_460 : memref<1x64xf32, #tpu.memory_space<hbm>>) target(%dma_start3A_458 : memref<1x64xf32, #tpu.memory_space<vmem>>) target_semaphore(%arg18 : memref<!tpu.dma_semaphore, #tpu.memory_space<semaphore_mem>>)
      %slice3A_461 = vector.extract_strided_slice %get3A_31 {offsets = [13], sizes = [1], strides = [1]} : vector<16xi32> to vector<1xi32>
      %squeeze3A_462 = vector.extract %slice3A_461[0] : i32 from vector<1xi32>
      %dma_start3A_463 = arith.constant 0 : i32
      %dma_start3A_464 = tpu.memref_slice %arg15[%add3A_450, %dma_start3A_463] : memref<128x64xf32, #tpu.memory_space<vmem>> -> memref<1x64xf32, #tpu.memory_space<vmem>>
      %dma_start3A_465 = arith.constant 0 : i32
      %dma_start3A_466 = tpu.memref_slice %arg3[%squeeze3A_462, %dma_start3A_465] : memref<100001x64xf32, #tpu.memory_space<hbm>> -> memref<1x64xf32, #tpu.memory_space<hbm>>
      %dma_start3A_467 = arith.constant 0 : i32
      %dma_start3A_468 = tpu.memref_slice %arg15[%add3A_450, %dma_start3A_467] : memref<128x64xf32, #tpu.memory_space<vmem>> -> memref<1x64xf32, #tpu.memory_space<vmem>>
      %dma_start3A_469 = arith.constant 0 : i32
      %dma_start3A_470 = tpu.memref_slice %arg3[%squeeze3A_462, %dma_start3A_469] : memref<100001x64xf32, #tpu.memory_space<hbm>> -> memref<1x64xf32, #tpu.memory_space<hbm>>
      tpu.enqueue_dma source(%dma_start3A_470 : memref<1x64xf32, #tpu.memory_space<hbm>>) target(%dma_start3A_468 : memref<1x64xf32, #tpu.memory_space<vmem>>) target_semaphore(%arg18 : memref<!tpu.dma_semaphore, #tpu.memory_space<semaphore_mem>>)
      %slice3A_471 = vector.extract_strided_slice %get3A_34 {offsets = [13], sizes = [1], strides = [1]} : vector<16xi32> to vector<1xi32>
      %squeeze3A_472 = vector.extract %slice3A_471[0] : i32 from vector<1xi32>
      %dma_start3A_473 = arith.constant 0 : i32
      %dma_start3A_474 = tpu.memref_slice %arg16[%add3A_450, %dma_start3A_473] : memref<128x64xf32, #tpu.memory_space<vmem>> -> memref<1x64xf32, #tpu.memory_space<vmem>>
      %dma_start3A_475 = arith.constant 0 : i32
      %dma_start3A_476 = tpu.memref_slice %arg4[%squeeze3A_472, %dma_start3A_475] : memref<1001x64xf32, #tpu.memory_space<hbm>> -> memref<1x64xf32, #tpu.memory_space<hbm>>
      %dma_start3A_477 = arith.constant 0 : i32
      %dma_start3A_478 = tpu.memref_slice %arg16[%add3A_450, %dma_start3A_477] : memref<128x64xf32, #tpu.memory_space<vmem>> -> memref<1x64xf32, #tpu.memory_space<vmem>>
      %dma_start3A_479 = arith.constant 0 : i32
      %dma_start3A_480 = tpu.memref_slice %arg4[%squeeze3A_472, %dma_start3A_479] : memref<1001x64xf32, #tpu.memory_space<hbm>> -> memref<1x64xf32, #tpu.memory_space<hbm>>
      tpu.enqueue_dma source(%dma_start3A_480 : memref<1x64xf32, #tpu.memory_space<hbm>>) target(%dma_start3A_478 : memref<1x64xf32, #tpu.memory_space<vmem>>) target_semaphore(%arg18 : memref<!tpu.dma_semaphore, #tpu.memory_space<semaphore_mem>>)
      %add3A_481 = arith.constant 14 : i32
      %add3A_482 = arith.addi %add3A_26, %add3A_481 : i32
      %slice3A_483 = vector.extract_strided_slice %get3A_28 {offsets = [14], sizes = [1], strides = [1]} : vector<16xi32> to vector<1xi32>
      %squeeze3A_484 = vector.extract %slice3A_483[0] : i32 from vector<1xi32>
      %dma_start3A_485 = arith.constant 0 : i32
      %dma_start3A_486 = tpu.memref_slice %arg14[%add3A_482, %dma_start3A_485] : memref<128x64xf32, #tpu.memory_space<vmem>> -> memref<1x64xf32, #tpu.memory_space<vmem>>
      %dma_start3A_487 = arith.constant 0 : i32
      %dma_start3A_488 = tpu.memref_slice %arg2[%squeeze3A_484, %dma_start3A_487] : memref<100001x64xf32, #tpu.memory_space<hbm>> -> memref<1x64xf32, #tpu.memory_space<hbm>>
      %dma_start3A_489 = arith.constant 0 : i32
      %dma_start3A_490 = tpu.memref_slice %arg14[%add3A_482, %dma_start3A_489] : memref<128x64xf32, #tpu.memory_space<vmem>> -> memref<1x64xf32, #tpu.memory_space<vmem>>
      %dma_start3A_491 = arith.constant 0 : i32
      %dma_start3A_492 = tpu.memref_slice %arg2[%squeeze3A_484, %dma_start3A_491] : memref<100001x64xf32, #tpu.memory_space<hbm>> -> memref<1x64xf32, #tpu.memory_space<hbm>>
      tpu.enqueue_dma source(%dma_start3A_492 : memref<1x64xf32, #tpu.memory_space<hbm>>) target(%dma_start3A_490 : memref<1x64xf32, #tpu.memory_space<vmem>>) target_semaphore(%arg18 : memref<!tpu.dma_semaphore, #tpu.memory_space<semaphore_mem>>)
      %slice3A_493 = vector.extract_strided_slice %get3A_31 {offsets = [14], sizes = [1], strides = [1]} : vector<16xi32> to vector<1xi32>
      %squeeze3A_494 = vector.extract %slice3A_493[0] : i32 from vector<1xi32>
      %dma_start3A_495 = arith.constant 0 : i32
      %dma_start3A_496 = tpu.memref_slice %arg15[%add3A_482, %dma_start3A_495] : memref<128x64xf32, #tpu.memory_space<vmem>> -> memref<1x64xf32, #tpu.memory_space<vmem>>
      %dma_start3A_497 = arith.constant 0 : i32
      %dma_start3A_498 = tpu.memref_slice %arg3[%squeeze3A_494, %dma_start3A_497] : memref<100001x64xf32, #tpu.memory_space<hbm>> -> memref<1x64xf32, #tpu.memory_space<hbm>>
      %dma_start3A_499 = arith.constant 0 : i32
      %dma_start3A_500 = tpu.memref_slice %arg15[%add3A_482, %dma_start3A_499] : memref<128x64xf32, #tpu.memory_space<vmem>> -> memref<1x64xf32, #tpu.memory_space<vmem>>
      %dma_start3A_501 = arith.constant 0 : i32
      %dma_start3A_502 = tpu.memref_slice %arg3[%squeeze3A_494, %dma_start3A_501] : memref<100001x64xf32, #tpu.memory_space<hbm>> -> memref<1x64xf32, #tpu.memory_space<hbm>>
      tpu.enqueue_dma source(%dma_start3A_502 : memref<1x64xf32, #tpu.memory_space<hbm>>) target(%dma_start3A_500 : memref<1x64xf32, #tpu.memory_space<vmem>>) target_semaphore(%arg18 : memref<!tpu.dma_semaphore, #tpu.memory_space<semaphore_mem>>)
      %slice3A_503 = vector.extract_strided_slice %get3A_34 {offsets = [14], sizes = [1], strides = [1]} : vector<16xi32> to vector<1xi32>
      %squeeze3A_504 = vector.extract %slice3A_503[0] : i32 from vector<1xi32>
      %dma_start3A_505 = arith.constant 0 : i32
      %dma_start3A_506 = tpu.memref_slice %arg16[%add3A_482, %dma_start3A_505] : memref<128x64xf32, #tpu.memory_space<vmem>> -> memref<1x64xf32, #tpu.memory_space<vmem>>
      %dma_start3A_507 = arith.constant 0 : i32
      %dma_start3A_508 = tpu.memref_slice %arg4[%squeeze3A_504, %dma_start3A_507] : memref<1001x64xf32, #tpu.memory_space<hbm>> -> memref<1x64xf32, #tpu.memory_space<hbm>>
      %dma_start3A_509 = arith.constant 0 : i32
      %dma_start3A_510 = tpu.memref_slice %arg16[%add3A_482, %dma_start3A_509] : memref<128x64xf32, #tpu.memory_space<vmem>> -> memref<1x64xf32, #tpu.memory_space<vmem>>
      %dma_start3A_511 = arith.constant 0 : i32
      %dma_start3A_512 = tpu.memref_slice %arg4[%squeeze3A_504, %dma_start3A_511] : memref<1001x64xf32, #tpu.memory_space<hbm>> -> memref<1x64xf32, #tpu.memory_space<hbm>>
      tpu.enqueue_dma source(%dma_start3A_512 : memref<1x64xf32, #tpu.memory_space<hbm>>) target(%dma_start3A_510 : memref<1x64xf32, #tpu.memory_space<vmem>>) target_semaphore(%arg18 : memref<!tpu.dma_semaphore, #tpu.memory_space<semaphore_mem>>)
      %add3A_513 = arith.constant 15 : i32
      %add3A_514 = arith.addi %add3A_26, %add3A_513 : i32
      %slice3A_515 = vector.extract_strided_slice %get3A_28 {offsets = [15], sizes = [1], strides = [1]} : vector<16xi32> to vector<1xi32>
      %squeeze3A_516 = vector.extract %slice3A_515[0] : i32 from vector<1xi32>
      %dma_start3A_517 = arith.constant 0 : i32
      %dma_start3A_518 = tpu.memref_slice %arg14[%add3A_514, %dma_start3A_517] : memref<128x64xf32, #tpu.memory_space<vmem>> -> memref<1x64xf32, #tpu.memory_space<vmem>>
      %dma_start3A_519 = arith.constant 0 : i32
      %dma_start3A_520 = tpu.memref_slice %arg2[%squeeze3A_516, %dma_start3A_519] : memref<100001x64xf32, #tpu.memory_space<hbm>> -> memref<1x64xf32, #tpu.memory_space<hbm>>
      %dma_start3A_521 = arith.constant 0 : i32
      %dma_start3A_522 = tpu.memref_slice %arg14[%add3A_514, %dma_start3A_521] : memref<128x64xf32, #tpu.memory_space<vmem>> -> memref<1x64xf32, #tpu.memory_space<vmem>>
      %dma_start3A_523 = arith.constant 0 : i32
      %dma_start3A_524 = tpu.memref_slice %arg2[%squeeze3A_516, %dma_start3A_523] : memref<100001x64xf32, #tpu.memory_space<hbm>> -> memref<1x64xf32, #tpu.memory_space<hbm>>
      tpu.enqueue_dma source(%dma_start3A_524 : memref<1x64xf32, #tpu.memory_space<hbm>>) target(%dma_start3A_522 : memref<1x64xf32, #tpu.memory_space<vmem>>) target_semaphore(%arg18 : memref<!tpu.dma_semaphore, #tpu.memory_space<semaphore_mem>>)
      %slice3A_525 = vector.extract_strided_slice %get3A_31 {offsets = [15], sizes = [1], strides = [1]} : vector<16xi32> to vector<1xi32>
      %squeeze3A_526 = vector.extract %slice3A_525[0] : i32 from vector<1xi32>
      %dma_start3A_527 = arith.constant 0 : i32
      %dma_start3A_528 = tpu.memref_slice %arg15[%add3A_514, %dma_start3A_527] : memref<128x64xf32, #tpu.memory_space<vmem>> -> memref<1x64xf32, #tpu.memory_space<vmem>>
      %dma_start3A_529 = arith.constant 0 : i32
      %dma_start3A_530 = tpu.memref_slice %arg3[%squeeze3A_526, %dma_start3A_529] : memref<100001x64xf32, #tpu.memory_space<hbm>> -> memref<1x64xf32, #tpu.memory_space<hbm>>
      %dma_start3A_531 = arith.constant 0 : i32
      %dma_start3A_532 = tpu.memref_slice %arg15[%add3A_514, %dma_start3A_531] : memref<128x64xf32, #tpu.memory_space<vmem>> -> memref<1x64xf32, #tpu.memory_space<vmem>>
      %dma_start3A_533 = arith.constant 0 : i32
      %dma_start3A_534 = tpu.memref_slice %arg3[%squeeze3A_526, %dma_start3A_533] : memref<100001x64xf32, #tpu.memory_space<hbm>> -> memref<1x64xf32, #tpu.memory_space<hbm>>
      tpu.enqueue_dma source(%dma_start3A_534 : memref<1x64xf32, #tpu.memory_space<hbm>>) target(%dma_start3A_532 : memref<1x64xf32, #tpu.memory_space<vmem>>) target_semaphore(%arg18 : memref<!tpu.dma_semaphore, #tpu.memory_space<semaphore_mem>>)
      %slice3A_535 = vector.extract_strided_slice %get3A_34 {offsets = [15], sizes = [1], strides = [1]} : vector<16xi32> to vector<1xi32>
      %squeeze3A_536 = vector.extract %slice3A_535[0] : i32 from vector<1xi32>
      %dma_start3A_537 = arith.constant 0 : i32
      %dma_start3A_538 = tpu.memref_slice %arg16[%add3A_514, %dma_start3A_537] : memref<128x64xf32, #tpu.memory_space<vmem>> -> memref<1x64xf32, #tpu.memory_space<vmem>>
      %dma_start3A_539 = arith.constant 0 : i32
      %dma_start3A_540 = tpu.memref_slice %arg4[%squeeze3A_536, %dma_start3A_539] : memref<1001x64xf32, #tpu.memory_space<hbm>> -> memref<1x64xf32, #tpu.memory_space<hbm>>
      %dma_start3A_541 = arith.constant 0 : i32
      %dma_start3A_542 = tpu.memref_slice %arg16[%add3A_514, %dma_start3A_541] : memref<128x64xf32, #tpu.memory_space<vmem>> -> memref<1x64xf32, #tpu.memory_space<vmem>>
      %dma_start3A_543 = arith.constant 0 : i32
      %dma_start3A_544 = tpu.memref_slice %arg4[%squeeze3A_536, %dma_start3A_543] : memref<1001x64xf32, #tpu.memory_space<hbm>> -> memref<1x64xf32, #tpu.memory_space<hbm>>
      tpu.enqueue_dma source(%dma_start3A_544 : memref<1x64xf32, #tpu.memory_space<hbm>>) target(%dma_start3A_542 : memref<1x64xf32, #tpu.memory_space<vmem>>) target_semaphore(%arg18 : memref<!tpu.dma_semaphore, #tpu.memory_space<semaphore_mem>>)
    }
    %scan3A_16 = arith.constant 8 : i32
    %scan3A_17 = arith.constant 0 : i32
    %scan3A_18 = arith.constant 128 : i32
    %scan3A_19 = arith.addi %scan3A_17, %scan3A_18 : i32
    %scan3A_20 = arith.constant 1 : i32
    scf.for %scan3A_22 = %scan3A_17 to %scan3A_19 step %scan3A_20  : i32 {
      %mul3A_23 = arith.constant 1 : i32
      %mul3A_24 = arith.muli %scan3A_22, %mul3A_23 : i32
      %add3A_25 = arith.constant 0 : i32
      %add3A_26 = arith.addi %add3A_25, %mul3A_24 : i32
      %dma_wait3A_27 = arith.constant 0 : i32
      %dma_wait3A_28 = arith.constant 0 : i32
      %dma_wait3A_29 = tpu.memref_slice %arg14[%dma_wait3A_27, %dma_wait3A_28] : memref<128x64xf32, #tpu.memory_space<vmem>> -> memref<1x64xf32, #tpu.memory_space<vmem>>
      %dma_wait3A_30 = arith.constant 0 : i32
      %dma_wait3A_31 = arith.constant 0 : i32
      %dma_wait3A_32 = tpu.memref_slice %arg2[%dma_wait3A_30, %dma_wait3A_31] : memref<100001x64xf32, #tpu.memory_space<hbm>> -> memref<1x64xf32, #tpu.memory_space<hbm>>
      %dma_wait3A_33 = arith.constant 0 : i32
      %dma_wait3A_34 = arith.constant 0 : i32
      %dma_wait3A_35 = tpu.memref_slice %arg14[%dma_wait3A_33, %dma_wait3A_34] : memref<128x64xf32, #tpu.memory_space<vmem>> -> memref<1x64xf32, #tpu.memory_space<vmem>>
      %dma_wait3A_36 = arith.constant 0 : i32
      %dma_wait3A_37 = arith.constant 0 : i32
      %dma_wait3A_38 = tpu.memref_slice %arg2[%dma_wait3A_36, %dma_wait3A_37] : memref<100001x64xf32, #tpu.memory_space<hbm>> -> memref<1x64xf32, #tpu.memory_space<hbm>>
      tpu.wait_dma2 semaphore(%arg18 : memref<!tpu.dma_semaphore, #tpu.memory_space<semaphore_mem>>) src(%dma_wait3A_38 : memref<1x64xf32, #tpu.memory_space<hbm>>) dst(%dma_wait3A_35 : memref<1x64xf32, #tpu.memory_space<vmem>>)
      %dma_wait3A_39 = arith.constant 0 : i32
      %dma_wait3A_40 = arith.constant 0 : i32
      %dma_wait3A_41 = tpu.memref_slice %arg15[%dma_wait3A_39, %dma_wait3A_40] : memref<128x64xf32, #tpu.memory_space<vmem>> -> memref<1x64xf32, #tpu.memory_space<vmem>>
      %dma_wait3A_42 = arith.constant 0 : i32
      %dma_wait3A_43 = arith.constant 0 : i32
      %dma_wait3A_44 = tpu.memref_slice %arg3[%dma_wait3A_42, %dma_wait3A_43] : memref<100001x64xf32, #tpu.memory_space<hbm>> -> memref<1x64xf32, #tpu.memory_space<hbm>>
      %dma_wait3A_45 = arith.constant 0 : i32
      %dma_wait3A_46 = arith.constant 0 : i32
      %dma_wait3A_47 = tpu.memref_slice %arg15[%dma_wait3A_45, %dma_wait3A_46] : memref<128x64xf32, #tpu.memory_space<vmem>> -> memref<1x64xf32, #tpu.memory_space<vmem>>
      %dma_wait3A_48 = arith.constant 0 : i32
      %dma_wait3A_49 = arith.constant 0 : i32
      %dma_wait3A_50 = tpu.memref_slice %arg3[%dma_wait3A_48, %dma_wait3A_49] : memref<100001x64xf32, #tpu.memory_space<hbm>> -> memref<1x64xf32, #tpu.memory_space<hbm>>
      tpu.wait_dma2 semaphore(%arg18 : memref<!tpu.dma_semaphore, #tpu.memory_space<semaphore_mem>>) src(%dma_wait3A_50 : memref<1x64xf32, #tpu.memory_space<hbm>>) dst(%dma_wait3A_47 : memref<1x64xf32, #tpu.memory_space<vmem>>)
      %dma_wait3A_51 = arith.constant 0 : i32
      %dma_wait3A_52 = arith.constant 0 : i32
      %dma_wait3A_53 = tpu.memref_slice %arg16[%dma_wait3A_51, %dma_wait3A_52] : memref<128x64xf32, #tpu.memory_space<vmem>> -> memref<1x64xf32, #tpu.memory_space<vmem>>
      %dma_wait3A_54 = arith.constant 0 : i32
      %dma_wait3A_55 = arith.constant 0 : i32
      %dma_wait3A_56 = tpu.memref_slice %arg4[%dma_wait3A_54, %dma_wait3A_55] : memref<1001x64xf32, #tpu.memory_space<hbm>> -> memref<1x64xf32, #tpu.memory_space<hbm>>
      %dma_wait3A_57 = arith.constant 0 : i32
      %dma_wait3A_58 = arith.constant 0 : i32
      %dma_wait3A_59 = tpu.memref_slice %arg16[%dma_wait3A_57, %dma_wait3A_58] : memref<128x64xf32, #tpu.memory_space<vmem>> -> memref<1x64xf32, #tpu.memory_space<vmem>>
      %dma_wait3A_60 = arith.constant 0 : i32
      %dma_wait3A_61 = arith.constant 0 : i32
      %dma_wait3A_62 = tpu.memref_slice %arg4[%dma_wait3A_60, %dma_wait3A_61] : memref<1001x64xf32, #tpu.memory_space<hbm>> -> memref<1x64xf32, #tpu.memory_space<hbm>>
      tpu.wait_dma2 semaphore(%arg18 : memref<!tpu.dma_semaphore, #tpu.memory_space<semaphore_mem>>) src(%dma_wait3A_62 : memref<1x64xf32, #tpu.memory_space<hbm>>) dst(%dma_wait3A_59 : memref<1x64xf32, #tpu.memory_space<vmem>>)
    }
    %scan3A_21 = arith.constant 128 : i32
    "tpu.region"() ({
      %run_scoped3A = tpu.sem_alloc : memref<!tpu.dma_semaphore, #tpu.memory_space<semaphore_mem>>
      %dma_start3A_22 = arith.constant 0 : i32
      %dma_start3A_23 = tpu.memref_slice %arg8[%mul3A_2, %dma_start3A_22] : memref<4096x64xf32, #tpu.memory_space<hbm>> -> memref<128x64xf32, #tpu.memory_space<hbm>>
      %dma_start3A_24 = arith.constant 0 : i32
      %dma_start3A_25 = tpu.memref_slice %arg8[%mul3A_2, %dma_start3A_24] : memref<4096x64xf32, #tpu.memory_space<hbm>> -> memref<128x64xf32, #tpu.memory_space<hbm>>
      tpu.enqueue_dma source(%arg14 : memref<128x64xf32, #tpu.memory_space<vmem>>) target(%dma_start3A_25 : memref<128x64xf32, #tpu.memory_space<hbm>>) target_semaphore(%run_scoped3A : memref<!tpu.dma_semaphore, #tpu.memory_space<semaphore_mem>>)
      %dma_wait3A_26 = arith.constant 0 : i32
      %dma_wait3A_27 = tpu.memref_slice %arg8[%mul3A_2, %dma_wait3A_26] : memref<4096x64xf32, #tpu.memory_space<hbm>> -> memref<128x64xf32, #tpu.memory_space<hbm>>
      %dma_wait3A_28 = arith.constant 0 : i32
      %dma_wait3A_29 = tpu.memref_slice %arg8[%mul3A_2, %dma_wait3A_28] : memref<4096x64xf32, #tpu.memory_space<hbm>> -> memref<128x64xf32, #tpu.memory_space<hbm>>
      tpu.wait_dma2 semaphore(%run_scoped3A : memref<!tpu.dma_semaphore, #tpu.memory_space<semaphore_mem>>) src(%arg14 : memref<128x64xf32, #tpu.memory_space<vmem>>) dst(%dma_wait3A_29 : memref<128x64xf32, #tpu.memory_space<hbm>>)
      tpu.yield
    }) : () -> ()
    "tpu.region"() ({
      %run_scoped3A = tpu.sem_alloc : memref<!tpu.dma_semaphore, #tpu.memory_space<semaphore_mem>>
      %dma_start3A_22 = arith.constant 0 : i32
      %dma_start3A_23 = tpu.memref_slice %arg9[%mul3A_2, %dma_start3A_22] : memref<4096x64xf32, #tpu.memory_space<hbm>> -> memref<128x64xf32, #tpu.memory_space<hbm>>
      %dma_start3A_24 = arith.constant 0 : i32
      %dma_start3A_25 = tpu.memref_slice %arg9[%mul3A_2, %dma_start3A_24] : memref<4096x64xf32, #tpu.memory_space<hbm>> -> memref<128x64xf32, #tpu.memory_space<hbm>>
      tpu.enqueue_dma source(%arg15 : memref<128x64xf32, #tpu.memory_space<vmem>>) target(%dma_start3A_25 : memref<128x64xf32, #tpu.memory_space<hbm>>) target_semaphore(%run_scoped3A : memref<!tpu.dma_semaphore, #tpu.memory_space<semaphore_mem>>)
      %dma_wait3A_26 = arith.constant 0 : i32
      %dma_wait3A_27 = tpu.memref_slice %arg9[%mul3A_2, %dma_wait3A_26] : memref<4096x64xf32, #tpu.memory_space<hbm>> -> memref<128x64xf32, #tpu.memory_space<hbm>>
      %dma_wait3A_28 = arith.constant 0 : i32
      %dma_wait3A_29 = tpu.memref_slice %arg9[%mul3A_2, %dma_wait3A_28] : memref<4096x64xf32, #tpu.memory_space<hbm>> -> memref<128x64xf32, #tpu.memory_space<hbm>>
      tpu.wait_dma2 semaphore(%run_scoped3A : memref<!tpu.dma_semaphore, #tpu.memory_space<semaphore_mem>>) src(%arg15 : memref<128x64xf32, #tpu.memory_space<vmem>>) dst(%dma_wait3A_29 : memref<128x64xf32, #tpu.memory_space<hbm>>)
      tpu.yield
    }) : () -> ()
    "tpu.region"() ({
      %run_scoped3A = tpu.sem_alloc : memref<!tpu.dma_semaphore, #tpu.memory_space<semaphore_mem>>
      %dma_start3A_22 = arith.constant 0 : i32
      %dma_start3A_23 = tpu.memref_slice %arg10[%mul3A_2, %dma_start3A_22] : memref<4096x64xf32, #tpu.memory_space<hbm>> -> memref<128x64xf32, #tpu.memory_space<hbm>>
      %dma_start3A_24 = arith.constant 0 : i32
      %dma_start3A_25 = tpu.memref_slice %arg10[%mul3A_2, %dma_start3A_24] : memref<4096x64xf32, #tpu.memory_space<hbm>> -> memref<128x64xf32, #tpu.memory_space<hbm>>
      tpu.enqueue_dma source(%arg16 : memref<128x64xf32, #tpu.memory_space<vmem>>) target(%dma_start3A_25 : memref<128x64xf32, #tpu.memory_space<hbm>>) target_semaphore(%run_scoped3A : memref<!tpu.dma_semaphore, #tpu.memory_space<semaphore_mem>>)
      %dma_wait3A_26 = arith.constant 0 : i32
      %dma_wait3A_27 = tpu.memref_slice %arg10[%mul3A_2, %dma_wait3A_26] : memref<4096x64xf32, #tpu.memory_space<hbm>> -> memref<128x64xf32, #tpu.memory_space<hbm>>
      %dma_wait3A_28 = arith.constant 0 : i32
      %dma_wait3A_29 = tpu.memref_slice %arg10[%mul3A_2, %dma_wait3A_28] : memref<4096x64xf32, #tpu.memory_space<hbm>> -> memref<128x64xf32, #tpu.memory_space<hbm>>
      tpu.wait_dma2 semaphore(%run_scoped3A : memref<!tpu.dma_semaphore, #tpu.memory_space<semaphore_mem>>) src(%arg16 : memref<128x64xf32, #tpu.memory_space<vmem>>) dst(%dma_wait3A_29 : memref<128x64xf32, #tpu.memory_space<hbm>>)
      tpu.yield
    }) : () -> ()
    return
  }
}

module attributes {stable_mosaic.version = 14 : i64} {
  func.func @_assemble_body(%arg0: i32, %arg1: memref<1x2048xi32, #tpu.memory_space<vmem>>, %arg2: memref<2048x64xf32, #tpu.memory_space<vmem>>, %arg3: memref<2048x64xf32, #tpu.memory_space<vmem>>, %arg4: memref<2048x64xf32, #tpu.memory_space<vmem>>, %arg5: memref<243x2048xf32, #tpu.memory_space<vmem>>) attributes {dimension_semantics = [#tpu.dimension_semantics<arbitrary>], iteration_bounds = array<i64: 2>, scalar_prefetch = 0 : i64, scratch_operands = 0 : i64, tpu.core_type = #tpu.core_type<tc>, window_params = [{transform_indices = @transform_0, window_bounds = array<i64: 1, 2048>}, {transform_indices = @transform_1, window_bounds = array<i64: 2048, 64>}, {transform_indices = @transform_2, window_bounds = array<i64: 2048, 64>}, {transform_indices = @transform_3, window_bounds = array<i64: 2048, 64>}, {transform_indices = @transform_4, window_bounds = array<i64: 243, 2048>}]} {
    %get3A = arith.constant 0 : index
    %get3A_0 = arith.constant 0 : index
    %get3A_1 = vector.load %arg1[%get3A, %get3A_0] : memref<1x2048xi32, #tpu.memory_space<vmem>>, vector<1x2048xi32>
    %iota3A = tpu.iota {dimensions = array<i32: 0>} : vector<51x2048xi32>
    %eq3A = vector.broadcast %get3A_1 : vector<1x2048xi32> to vector<51x2048xi32>
    %eq3A_2 = arith.cmpi eq, %eq3A, %iota3A : vector<51x2048xi32>
    %get3A_3 = arith.constant 0 : index
    %get3A_4 = arith.constant 0 : index
    %get3A_5 = vector.load %arg2[%get3A_3, %get3A_4] : memref<2048x64xf32, #tpu.memory_space<vmem>>, vector<2048x64xf32>
    %transpose3A = tpu.transpose %get3A_5, [1, 0] : vector<2048x64xf32> -> vector<64x2048xf32>
    %swap3A = arith.constant 0 : index
    %swap3A_6 = arith.constant 0 : index
    %swap3A_7 = vector.load %arg5[%swap3A, %swap3A_6] : memref<243x2048xf32, #tpu.memory_space<vmem>>, vector<64x2048xf32>
    tpu.vector_store %arg5[%swap3A, %swap3A_6], %transpose3A {strides = array<i32>} : memref<243x2048xf32, #tpu.memory_space<vmem>>, vector<64x2048xf32>,
    %get3A_8 = arith.constant 0 : index
    %get3A_9 = arith.constant 0 : index
    %get3A_10 = vector.load %arg3[%get3A_8, %get3A_9] : memref<2048x64xf32, #tpu.memory_space<vmem>>, vector<2048x64xf32>
    %transpose3A_11 = tpu.transpose %get3A_10, [1, 0] : vector<2048x64xf32> -> vector<64x2048xf32>
    %swap3A_12 = arith.constant 64 : index
    %swap3A_13 = arith.constant 0 : index
    %swap3A_14 = vector.load %arg5[%swap3A_12, %swap3A_13] : memref<243x2048xf32, #tpu.memory_space<vmem>>, vector<64x2048xf32>
    tpu.vector_store %arg5[%swap3A_12, %swap3A_13], %transpose3A_11 {strides = array<i32>} : memref<243x2048xf32, #tpu.memory_space<vmem>>, vector<64x2048xf32>,
    %convert_element_type3A = arith.extui %eq3A_2 : vector<51x2048xi1> to vector<51x2048xi32>
    %convert_element_type3A_15 = arith.sitofp %convert_element_type3A : vector<51x2048xi32> to vector<51x2048xf32>
    %swap3A_16 = arith.constant 128 : index
    %swap3A_17 = arith.constant 0 : index
    %swap3A_18 = vector.load %arg5[%swap3A_16, %swap3A_17] : memref<243x2048xf32, #tpu.memory_space<vmem>>, vector<51x2048xf32>
    tpu.vector_store %arg5[%swap3A_16, %swap3A_17], %convert_element_type3A_15 {strides = array<i32>} : memref<243x2048xf32, #tpu.memory_space<vmem>>, vector<51x2048xf32>,
    %get3A_19 = arith.constant 0 : index
    %get3A_20 = arith.constant 0 : index
    %get3A_21 = vector.load %arg4[%get3A_19, %get3A_20] : memref<2048x64xf32, #tpu.memory_space<vmem>>, vector<2048x64xf32>
    %transpose3A_22 = tpu.transpose %get3A_21, [1, 0] : vector<2048x64xf32> -> vector<64x2048xf32>
    %swap3A_23 = arith.constant 179 : index
    %swap3A_24 = arith.constant 0 : index
    %swap3A_25 = vector.load %arg5[%swap3A_23, %swap3A_24] : memref<243x2048xf32, #tpu.memory_space<vmem>>, vector<64x2048xf32>
    tpu.vector_store %arg5[%swap3A_23, %swap3A_24], %transpose3A_22 {strides = array<i32>} : memref<243x2048xf32, #tpu.memory_space<vmem>>, vector<64x2048xf32>,
    return
  }
  func.func @transform_0(%arg0: i32) -> (i32, i32) {
    %c0_i32 = arith.constant 0 : i32
    %c0_i32_0 = arith.constant 0 : i32
    return %c0_i32, %arg0 : i32, i32
  }
  func.func @transform_1(%arg0: i32) -> (i32, i32) {
    %c0_i32 = arith.constant 0 : i32
    %c0_i32_0 = arith.constant 0 : i32
    return %arg0, %c0_i32 : i32, i32
  }
  func.func @transform_2(%arg0: i32) -> (i32, i32) {
    %c0_i32 = arith.constant 0 : i32
    %c0_i32_0 = arith.constant 0 : i32
    return %arg0, %c0_i32 : i32, i32
  }
  func.func @transform_3(%arg0: i32) -> (i32, i32) {
    %c0_i32 = arith.constant 0 : i32
    %c0_i32_0 = arith.constant 0 : i32
    return %arg0, %c0_i32 : i32, i32
  }
  func.func @transform_4(%arg0: i32) -> (i32, i32) {
    %c0_i32 = arith.constant 0 : i32
    %c0_i32_0 = arith.constant 0 : i32
    return %c0_i32, %arg0 : i32, i32
  }
}

</mosaic_0001>

<sc_bundles>
// kernel: kernel.4.cloned.1.call-start
scs
__scs_entry_jumppad:
0x0: {  	(pc) =	sbr.rel $0x88, $3  }
0x1: {  	(tag) =	ssettag $0x0;
	lr =	simm.s32 $0x1  }
0x2: {  	[smem:$0x3F9A] =	sst lr;
	_ =	strace $0xD0000000  }
0x3: {  	_ = 	snop  }
0x4: {  	_ = 	snop  }
0x5: {  	_ = 	snop  }
0x6: {  	_ = 	snop  }
0x7: {  	_ = 	snop  }
__scs_overlays_trampoline_lowered:
0x8: {  	[smem:$0x3FA9] =	sst s0  }
0x9: {  	[smem:$0x3FAA] =	sst s1  }
0xa: {  	[smem:$0x3FAB] =	sst s2  }
0xb: {  	[smem:$0x3FAC] =	sst s3  }
0xc: {  	[smem:$0x3FAD] =	sst s4  }
0xd: {  	[smem:$0x3FAE] =	sst s5  }
0xe: {  	[smem:$0x3FAF] =	sst s6  }
0xf: {  	[smem:$0x3FB0] =	sst s7  }
0x10: {  	[smem:$0x3FB1] =	sst s8  }
0x11: {  	[smem:$0x3FB2] =	sst s9;
	s0 =	simm.s32 @!p0 $0x0  }
0x12: {  	s1 =	sld [smem:$0x3F98];
	s0 =	simm.s32 @p0 $0x1  }
0x13: {  	[smem:$0x3FB3] =	sst s0;
	s0 =	simm.s32 @!p1 $0x0  }
0x14: {  	s2 =	sld [smem:$0x3F97];
	s0 =	simm.s32 @p1 $0x1  }
0x15: {  	[smem:$0x3FB4] =	sst s0;
	s0 =	simm.s32 @!p2 $0x0  }
0x16: {  	s3 =	sld [smem:$0x3FDB];
	s0 =	simm.s32 @p2 $0x1  }
0x17: {  	s4 =	simm.s32 $0x1BF5;
	[smem:$0x3FB6] =	sst s0  }
0x18: {  	s0 =	sld [smem:$0x3F99];
	_ =	swait.ge [sflag:s4], $0x0  }
0x19: {  	s7 =	sld [smem:$0x3F9A]  }
0x1a: {  	s8 =	sadd.s32 $0xFFFFE003, lr  }
0x1b: {  	s9 =	sadd.s32 $0xFFFFFEF7, lr;
	s5 =	simm.s32 $0xFFFFFFFF;
	p2 =	slt.u32 s8, $0xFFFFF086  }
0x1c: {  	p1 =	slt.u32 s9, $0xF7A;
	s5 =	simm.s32 @!p2 $0x0  }
0x1d: {  	s5 =	simm.s32 @p1 $0x1;
	p0 =	seq.s32 s7, s2  }
0x1e: {  	s7 =	smul.u32 @!p0 $0xF7A, s2;
	p2 =	seq.s32 @!p0 s5, $0x0  }
0x1f: {  	s9 =	smul.u32 $0xF7A, s1;
	s8 =	simm.s32 @!p0 $0x1BF5;
	p2 =	por !p2, p0  }
0x20: {  	[sflag:s8] =	ssyncset.s32 @!p0 $0xFFFFF086;
	s6 =	sadd.s32 @!p0 s3, s7;
	s7 =	simm.s32 @!p0 $0x108  }
0x21: {  	s3 =	sadd.s32 s3, s9;
	s6 =	sadd.s32 @!p0 $0x88, s6;
	s7 =	simm.s32 @p2 $0x1082  }
0x22: {  	[simem:s7], [sflag:s8] =	dma.local @!p0 [hbm:s6], $0xF7A  }
0x23: {  	s9 =	sor.u32 $0xD0000000, s2;
	s6 =	simm.s32 $0x108;
	_ =	swait.ge @!p0 [sflag:s8], $0x0  }
0x24: {  	s3 =	sadd.s32 $0x88, s3;
	s6 =	simm.s32 @!p1 $0x1082;
	[sflag:s4] =	ssyncset.s32 $0xFFFFF086  }
0x25: {  	[simem:s6], [sflag:s4] =	dma.local [hbm:s3], $0xF7A  }
0x26: {  	[smem:$0x3F9A] =	sst s1;
	(tag) =	ssettag s2;
	_ =	strace s9  }
0x27: {  	s1 =	sld [smem:$0x3FAA]  }
0x28: {  	s2 =	sld [smem:$0x3FAB]  }
0x29: {  	s4 =	sld [smem:$0x3FAD]  }
0x2a: {  	p0 =	seq.s32 s5, $0x0;
	s5 =	sld [smem:$0x3FAE]  }
0x2b: {  	s6 =	sld [smem:$0x3FAF]  }
0x2c: {  	s7 =	sld [smem:$0x3FB0]  }
0x2d: {  	s3 =	simm.s32 $0x108;
	s8 =	sld [smem:$0x3FB1]  }
0x2e: {  	s3 =	simm.s32 @!p0 $0x1082;
	s9 =	sld [smem:$0x3FB2]  }
0x2f: {  	lr =	sadd.s32 s0, s3;
	s0 =	sld [smem:$0x3FA9]  }
0x30: {  	s3 =	sld [smem:$0x3FAC]  }
0x31: {  	[smem:$0x3FB5] =	sst s10  }
0x32: {  	s10 =	sld [smem:$0x3FB3];
	_ =	sdelay $0x3  }
0x33: {  	p0 =	seq.s32 s10, $0x1;
	s10 =	sld [smem:$0x3FB5];
	_ =	sdelay $0x3  }
0x34: {  	[smem:$0x3FB5] =	sst s10  }
0x35: {  	s10 =	sld [smem:$0x3FB4];
	_ =	sdelay $0x3  }
0x36: {  	p1 =	seq.s32 s10, $0x1;
	s10 =	sld [smem:$0x3FB5];
	_ =	sdelay $0x3  }
0x37: {  	[smem:$0x3FB5] =	sst s10  }
0x38: {  	s10 =	sld [smem:$0x3FB6]  }
0x39: {  	_ = 	snop;
	(pc) =	sbr.ind lr, $3  }
0x3a: {  	_ = 	snop  }
0x3b: {  	_ = 	snop  }
0x3c: {  	p2 =	seq.s32 s10, $0x1;
	s10 =	sld [smem:$0x3FB5]  }
0x3d: {  	_ =	shalt  }
0x3e: {  	_ =	shalt  }
0x3f: {  	_ =	shalt  }
0x40: {  	_ =	shalt  }
0x41: {  	_ =	shalt  }
0x42: {  	_ =	shalt  }
0x43: {  	_ =	shalt  }
0x44: {  	_ =	shalt  }
0x45: {  	_ =	shalt  }
0x46: {  	_ =	shalt  }
0x47: {  	_ =	shalt  }
0x48: {  	_ =	shalt  }
0x49: {  	_ =	shalt  }
0x4a: {  	_ =	shalt  }
0x4b: {  	_ =	shalt  }
0x4c: {  	_ =	shalt  }
0x4d: {  	_ =	shalt  }
0x4e: {  	_ =	shalt  }
0x4f: {  	_ =	shalt  }
0x50: {  	_ =	shalt  }
0x51: {  	_ =	shalt  }
0x52: {  	_ =	shalt  }
0x53: {  	_ =	shalt  }
0x54: {  	_ =	shalt  }
0x55: {  	_ =	shalt  }
0x56: {  	_ =	shalt  }
0x57: {  	_ =	shalt  }
0x58: {  	_ =	shalt  }
0x59: {  	_ =	shalt  }
0x5a: {  	_ =	shalt  }
0x5b: {  	_ =	shalt  }
0x5c: {  	_ =	shalt  }
0x5d: {  	_ =	shalt  }
0x5e: {  	_ =	shalt  }
0x5f: {  	_ =	shalt  }
0x60: {  	_ =	shalt  }
0x61: {  	_ =	shalt  }
0x62: {  	_ =	shalt  }
0x63: {  	_ =	shalt  }
0x64: {  	_ =	shalt  }
0x65: {  	_ =	shalt  }
0x66: {  	_ =	shalt  }
0x67: {  	_ =	shalt  }
0x68: {  	_ =	shalt  }
0x69: {  	_ =	shalt  }
0x6a: {  	_ =	shalt  }
0x6b: {  	_ =	shalt  }
0x6c: {  	_ =	shalt  }
0x6d: {  	_ =	shalt  }
0x6e: {  	_ =	shalt  }
0x6f: {  	_ =	shalt  }
0x70: {  	_ =	shalt  }
0x71: {  	_ =	shalt  }
0x72: {  	_ =	shalt  }
0x73: {  	_ =	shalt  }
0x74: {  	_ =	shalt  }
0x75: {  	_ =	shalt  }
0x76: {  	_ =	shalt  }
0x77: {  	_ =	shalt  }
0x78: {  	_ =	shalt  }
0x79: {  	_ =	shalt  }
0x7a: {  	_ =	shalt  }
0x7b: {  	_ =	shalt  }
0x7c: {  	_ =	shalt  }
0x7d: {  	_ =	shalt  }
0x7e: {  	_ =	shalt  }
0x7f: {  	_ =	shalt  }
0x80: {  	_ =	shalt  }
0x81: {  	_ =	shalt  }
0x82: {  	_ =	shalt  }
0x83: {  	_ =	shalt  }
0x84: {  	_ =	shalt  }
0x85: {  	_ =	shalt  }
0x86: {  	_ =	shalt  }
0x87: {  	_ =	shalt  }
.Lfunc_end0:
.L_simem_size_0:
called_computation_lowered:
.L_overlay_start_0:
0x88: {  	s2 =	sld [smem:$0x3FD9]  }
0x89: {  	s3 =	sld [smem:$0x3FFE];
	_ =	sdelay $0x1  }
0x8a: {  	s1 =	srdreg.scid  }
0x8b: {  	s0 =	sand.u32 $0x1, s1  }
0x8c: {  	s17 =	sshll.u32 s0, $0xA;
	s2 =	sadd.s32 s3, s2  }
0x8d: {  	s2 =	sadd.s32 s2, s17  }
0x8e: {  	[smem:$0x3FC1] =	sst s2  }
0x8f: {  	_ = 	snop  }
0x90: {  	s2 =	sld [smem:$0x3FC9]  }
0x91: {  	s18 =	sld [smem:$0x3FC8]  }
0x92: {  	s4 =	sld [smem:$0x3FC7]  }
0x93: {  	s5 =	sld [smem:$0x3FD0];
	(tm) =	ssettm $0x1  }
0x94: {  	s6 =	sld [smem:$0x3FFB];
	_ =	sdelay $0x3  }
0x95: {  	_ =	strace s6  }
0x96: {  	s6 =	sld [smem:$0x3FFC];
	_ =	sdelay $0x3  }
0x97: {  	_ =	strace s6  }
0x98: {  	s6 =	sld [smem:$0x3FFD];
	_ =	sdelay $0x3  }
0x99: {  	_ =	strace s6  }
0x9a: {  	_ =	strace $0x8FFFFFFF  }
0x9b: {  	s19 =	sld [smem:$0x3FDB];
	_ =	sdelay $0x1  }
0x9c: {  	s7 =	simm.s32 $_scs_section_size  }
0x9d: {  	s8 =	simm.s32 $_size__tile_overlayer_lowered;
	s9 =	simm.s32 $_tile_overlayer_lowered  }
0x9e: {  	s22 =	simm.s32 $0x1BFF;
	s21 =	sshll.u32 s9, $0x1;
	s6 =	sadd.s32 s7, s19  }
0x9f: {  	s10 =	simm.s32 $0x0;
	s20 =	sshll.u32 s8, $0x1;
	s8 =	sadd.s32 s21, s6  }
0xa0: {  	[timem:s10], [sflag:s22] =	dma.local [hbm:s8], s20  }
0xa1: {  	_ =	swait.ge [sflag:s22], s20  }
0xa2: {  	s7 =	ssub.s32 $0x0, s20;
	[sflag:s22] =	ssyncset.done $0x0  }
0xa3: {  	[sflag:s22] =	ssyncadd.s32 s7;
	_ =	sdelay $0x1  }
0xa4: {  	s23 =	simm.s32 $0x1B8B  }
0xa5: {  	_ =	swait.ge [sflag:s23], $0x1  }
0xa6: {  	[sflag:s23] =	ssyncset.done $0x0  }
0xa7: {  	s25 =	simm.s32 $0x1B8E;
	s24 =	sld [smem:$0x3FFE];
	[sflag:s23] =	ssyncadd.s32 $0xFFFFFFFF  }
0xa8: {  	s26 =	simm.s32 $execute0_lowered;
	[smem:$0x3FD2] =	sst s25  }
0xa9: {  	s8 =	sshll.u32 s26, $0x1;
	_ =	strace $0x80000046;
	[dreg:$0x1] =	wrdreg $0xFFFFFFFF  }
0xaa: {  	s28 =	simm.s32 $_size_execute0_lowered;
	s6 =	sadd.s32 s6, s8;
	[dreg:$0x0] =	wrdreg $0x0  }
0xab: {  	s8 =	sshll.u32 s28, $0x1;
	[dreg:$0x2] =	wrdreg s6  }
0xac: {  	[dreg:$0x3] =	wrdreg s8  }
0xad: {  	[dreg:$0x4] =	wrdreg $0xC0  }
0xae: {  	_ =	task [dreg:s10], $0x5FFFF  }
0xaf: {  	[dreg:$0x1] =	wrdreg $0xFFFFFFFF  }
0xb0: {  	[dreg:$0x0] =	wrdreg $0x60  }
0xb1: {  	[dreg:$0x2] =	wrdreg s24  }
0xb2: {  	[dreg:$0x3] =	wrdreg s2  }
0xb3: {  	[dreg:$0x4] =	wrdreg s18  }
0xb4: {  	[dreg:$0x5] =	wrdreg s4  }
0xb5: {  	[dreg:$0x6] =	wrdreg s5  }
0xb6: {  	[dreg:$0x7] =	wrdreg $0x9  }
0xb7: {  	_ =	task.clear_ibuf [dreg:s10], $0x8FFFF;
	_ =	strace $0x90000046  }
0xb8: {  	s29 =	simm.s32 $0x9;
	_ =	strace $0x80000048  }
0xb9: {  	_ =	swait.ge [sflag:s29], $0x1  }
0xba: {  	[sflag:s29] =	ssyncadd.s32 $0xFFFFFFFF  }
0xbb: {  	_ =	strace $0x90000048  }
0xbc: {  	_ =	sfence  }
0xbd: {  	s30 =	sld [smem:$0x0];
	_ =	sdelay $0x2  }
0xbe: {  	s31 =	sshll.u32 s1, $0xD;
	s1 =	sshrl.u32 s1, $0x2  }
0xbf: {  	s3 =	sand.u32 $0x4000, s31;
	s1 =	sadd.s32 s1, s30  }
0xc0: {  	s0 =	sor.u32 s3, s0;
	s1 =	sshll.u32 s1, $0x11  }
0xc1: {  	s0 =	sor.u32 s1, s0  }
0xc2: {  	s0 =	sadd.s32 $0x8F2B, s0  }
0xc3: {  	[sflag:s0] =	ssyncadd.remote.s32 $0x1  }
0xc4: {  	_ =	sfence.sel $0xFFFF  }
0xc5: {  	[dreg:$0x0] =	wrdreg $0xFFFFFFFF;
	(pc) =	sbr.abs _section_cstart, $3  }
0xc6: {  	[dreg:$0x1] =	wrdreg $0xFFFFFFFF  }
0xc7: {  	_ =	task.clear_ibuf [dreg:s10], $0x2FFFF;
	_ =	strace $0x9FFFFFFF  }
0xc8: {  	(tm) =	ssettm $0x7FFFFFFF  }
0xc9: {  	_ =	shalt  }
tec
execute0_lowered:
.L_overlay_start_1:
0x0: {  	(tag) =	ssettag $0x1  }
0x1: {  	s0 =	rddreg [dreg:$0x0]  }
0x2: {  	s1 =	rddreg [dreg:$0x1]  }
0x3: {  	s6 =	rddreg [dreg:$0x2]  }
0x4: {  	s7 =	rddreg [dreg:$0x3];
	s3 =	srdreg.scid  }
0x5: {  	s8 =	rddreg [dreg:$0x4];
	s4 =	stileid.u32;
	s9 =	sand.u32 $0x1, s3  }
0x6: {  	s2 =	simm.s32 $0x0;
	s5 =	sshll.u32 s4, $0x8;
	s10 =	sshll.u32 s9, $0x7  }
0x7: {  	[smem:$0x7FF] =	sst s2;
	s3 =	sadd.s32 $0x6C00, s0;
	s10 =	sor.u32 s10, s5  }
0x8: {  	s4 =	sadd.s32 $0x18D800, s0;
	s11 =	sshll.u32 s10, $0x4;
	s10 =	sshrl.u32 s10, $0x3  }
0x9: {  	_ =	strace $0x80000047;
	s9 =	ssub.s32 $0x2, s9;
	s1 =	sadd.s32 s1, s10  }
0xa: {  	s5 =	sadd.s32 $0x2C00, s0;
	s26 =	sadd.s32 s6, s10;
	[smem:$0x7F7] =	sst s1  }
0xb: {  	s12 =	sshrl.u32 s9, $0x1;
	s28 =	sadd.s32 s7, s10;
	[smem:$0x7F8] =	sst s26  }
0xc: {  	s9 =	ssub.s32 s9, s12;
	s29 =	sadd.s32 s8, s11;
	[smem:$0x7F9] =	sst s28  }
0xd: {  	s0 =	sadd.s32 s11, s0;
	s31 =	smax.u32 s9, $0x1;
	[smem:$0x7FA] =	sst s29  }
0xe: {  	s30 =	sadd.s32 $0x314400, s0;
	[smem:$0x7FD] =	sst s31  }
0xf: {  	s0 =	sadd.s32 $0x324400, s0;
	[smem:$0x7FB] =	sst s30  }
0x10: {  	s6 =	simm.s32 $0x0;
	[smem:$0x7FC] =	sst s0  }
.LBB2_1:
0x11: {  	s0 =	sld [smem:$0x7F7];
	_ =	sdelay $0x1  }
0x12: {  	s1 =	sld [smem:$0x7F8]  }
0x13: {  	[tilespmem:s2], [sflag:$0x1] =	stream.linear.gather [hbm4b:s0+s2], $0x80, $0x38;
	[tilespmem:$0xC180] =	vst v63  }
0x14: {  	s13 =	simm.s32 $0x80;
	s15 =	sld [smem:$0x7F9]  }
0x15: {  	[tilespmem:s13], [sflag:$0x1] =	stream.linear.gather [hbm4b:s1+s2], $0x80, $0x38;
	[tilespmem:$0xC180] =	vst v63  }
0x16: {  	[smem:$0x7F6] =	sst s6;
	s14 =	simm.s32 $0x100;
	s16 =	simm.s32 $0x1  }
0x17: {  	[tilespmem:s14], [sflag:$0x1] =	stream.linear.gather [hbm4b:s15+s2], $0x80, $0x38;
	[tilespmem:$0xC180] =	vst v63  }
0x18: {  	_ =	swait.ge [sflag:s16], $0x80  }
0x19: {  	[sflag:s16] =	ssyncset.done $0x0  }
0x1a: {  	[sflag:s16] =	ssyncadd.s32 $0xFFFFFF80  }
0x1b: {  	_ =	swait.ge [sflag:s16], $0x80  }
0x1c: {  	[sflag:s16] =	ssyncset.done $0x0  }
0x1d: {  	[sflag:s16] =	ssyncadd.s32 $0xFFFFFF80  }
0x1e: {  	_ =	swait.ge [sflag:s16], $0x80  }
0x1f: {  	[sflag:s16] =	ssyncset.done $0x0  }
0x20: {  	[sflag:s16] =	ssyncadd.s32 $0xFFFFFF80  }
0x21: {  	v0 =	vld [tilespmem:s2+$0x0]  }
0x22: {  	v1 =	vld [tilespmem:s13+$0x0]  }
0x23: {  	v3 =	vld [tilespmem:s14+$0x0];
	_ =	sdelay $0x2  }
0x24: {  	v2 =	vshll.u32 v0, $0x4  }
0x25: {  	v1 =	vshll.u32 v1, $0x4;
	(v2sf) =	vpush v2, $0x0  }
0x26: {  	v63 =	vshll.u32 v3, $0x4;
	(v2sf) =	vpush v1, $0x0  }
0x27: {  	(v2sf) =	vpush v63, $0x0;
	_ =	sdelay $0x2  }
0x28: {  	(v2sf) =	vpush v2, $0x1  }
0x29: {  	(v2sf) =	vpush v1, $0x1;
	_ =	sdelay $0x1  }
0x2a: {  	(v2sf) =	vpush v63, $0x1;
	_ =	sdelay $0x1  }
0x2b: {  	(v2sf) =	vpush v2, $0x2  }
0x2c: {  	s18 =	simm.s32 $0x2000  }
0x2d: {  	s20 =	simm.s32 $0x0;
	s7 =	simm.s32 $0x8180;
	s8 =	simm.s32 $0x4300  }
0x2e: {  	s6 =	simm.s32 $0x500;
	s17 =	simm.s32 $0x180;
	s9 =	simm.s32 $0x4180  }
0x2f: {  	s11 =	simm.s32 $0x8200;
	s12 =	simm.s32 $0x300;
	s23 =	simm.s32 $0x200  }
0x30: {  	s25 =	simm.s32 $0x4200;
	s0 =	simm.s32 $0x600;
	s10 =	spop (v2sf)  }
0x31: {  	s1 =	simm.s32 $0x580;
	(v2sf) =	vpush v1, $0x2;
	s10 =	sand.u32 $0x1FFFFFF0, s10;
	s13 =	spop (v2sf)  }
0x32: {  	s15 =	simm.s32 $0x90;
	s10 =	sadd.s32 s3, s10;
	s21 =	spop (v2sf)  }
0x33: {  	(v2sf) =	vpush v63, $0x2;
	[tilespmem:s17], [sflag:$0x2] =	stream.linear.gather [hbm4b:s10+s2], $0x80, $0x38;
	[tilespmem:$0xC180] =	vst v63  }
0x34: {  	s16 =	simm.s32 $0x110;
	s19 =	sand.u32 $0x1FFFFFF0, s13;
	(v2sf) =	vpush v2, $0x3;
	s13 =	sand.u32 $0x1FFFFFF0, s21  }
0x35: {  	s14 =	spop (v2sf);
	s10 =	sadd.s32 s4, s19;
	s19 =	simm.s32 $0x4280  }
0x36: {  	(v2sf) =	vpush v1, $0x3;
	s22 =	sand.u32 $0x1FFFFFF0, s14;
	s13 =	sadd.s32 s5, s13;
	s24 =	spop (v2sf)  }
0x37: {  	(v2sf) =	vpush v63, $0x3;
	[tilespmem:s9], [sflag:$0x2] =	stream.linear.gather [hbm4b:s10+s2], $0x80, $0x38;
	[tilespmem:$0xC180] =	vst v63  }
0x38: {  	s14 =	simm.s32 $0x280;
	s9 =	simm.s32 $0x8300;
	s28 =	spop (v2sf)  }
0x39: {  	(v2sf) =	vpush v2, $0x4;
	[tilespmem:s7], [sflag:$0x2] =	stream.linear.gather [hbm4b:s13+s2], $0x80, $0x38;
	[tilespmem:$0xC180] =	vst v63  }
0x3a: {  	s10 =	sadd.s32 s3, s22;
	s26 =	sand.u32 $0x1FFFFFF0, s24;
	s29 =	spop (v2sf)  }
0x3b: {  	[tilespmem:s23], [sflag:$0x2] =	stream.linear.gather [hbm4b:s10+s2], $0x80, $0x38;
	[tilespmem:$0xC180] =	vst v63  }
0x3c: {  	s13 =	sand.u32 $0x1FFFFFF0, s28;
	s31 =	sand.u32 $0x1FFFFFF0, s29;
	s10 =	sadd.s32 s4, s26  }
0x3d: {  	(v2sf) =	vpush v1, $0x4;
	[tilespmem:s25], [sflag:$0x2] =	stream.linear.gather [hbm4b:s10+s2], $0x80, $0x38;
	[tilespmem:$0xC180] =	vst v63  }
0x3e: {  	s7 =	simm.s32 $0x8600;
	s28 =	simm.s32 $0x4380;
	s30 =	sadd.s32 s5, s13  }
0x3f: {  	[tilespmem:s11], [sflag:$0x2] =	stream.linear.gather [hbm4b:s30+s2], $0x80, $0x38;
	[tilespmem:$0xC180] =	vst v63  }
0x40: {  	s13 =	sadd.s32 s3, s31;
	s31 =	simm.s32 $0x8380;
	s17 =	spop (v2sf)  }
0x41: {  	(v2sf) =	vpush v63, $0x4;
	[tilespmem:s14], [sflag:$0x2] =	stream.linear.gather [hbm4b:s13+s2], $0x80, $0x38;
	[tilespmem:$0xC180] =	vst v63  }
0x42: {  	s23 =	simm.s32 $0x8280;
	s11 =	sand.u32 $0x1FFFFFF0, s17;
	s21 =	spop (v2sf)  }
0x43: {  	s10 =	simm.s32 $0x4400;
	(v2sf) =	vpush v2, $0x5;
	s11 =	sadd.s32 s4, s11;
	s22 =	spop (v2sf)  }
0x44: {  	(v2sf) =	vpush v1, $0x5;
	[tilespmem:s19], [sflag:$0x2] =	stream.linear.gather [hbm4b:s11+s2], $0x80, $0x38;
	[tilespmem:$0xC180] =	vst v63  }
0x45: {  	s13 =	sand.u32 $0x1FFFFFF0, s21;
	s21 =	simm.s32 $0x380;
	s26 =	spop (v2sf)  }
0x46: {  	s24 =	sadd.s32 s5, s13;
	s25 =	sand.u32 $0x1FFFFFF0, s22;
	(v2sf) =	vpush v63, $0x5;
	s29 =	spop (v2sf)  }
0x47: {  	(v2sf) =	vpush v2, $0x6;
	[tilespmem:s23], [sflag:$0x2] =	stream.linear.gather [hbm4b:s24+s2], $0x80, $0x38;
	[tilespmem:$0xC180] =	vst v63  }
0x48: {  	s13 =	sadd.s32 s3, s25;
	s11 =	sand.u32 $0x1FFFFFF0, s26;
	s30 =	spop (v2sf)  }
0x49: {  	[tilespmem:s12], [sflag:$0x2] =	stream.linear.gather [hbm4b:s13+s2], $0x80, $0x38;
	[tilespmem:$0xC180] =	vst v63  }
0x4a: {  	s11 =	sadd.s32 s4, s11;
	s19 =	sand.u32 $0x1FFFFFF0, s30;
	s13 =	sand.u32 $0x1FFFFFF0, s29  }
0x4b: {  	(v2sf) =	vpush v1, $0x6;
	[tilespmem:s8], [sflag:$0x2] =	stream.linear.gather [hbm4b:s11+s2], $0x80, $0x38;
	[tilespmem:$0xC180] =	vst v63  }
0x4c: {  	s22 =	spop (v2sf);
	s12 =	simm.s32 $0x4480;
	s17 =	sadd.s32 s5, s13  }
0x4d: {  	(v2sf) =	vpush v63, $0x6;
	[tilespmem:s9], [sflag:$0x2] =	stream.linear.gather [hbm4b:s17+s2], $0x80, $0x38;
	[tilespmem:$0xC180] =	vst v63  }
0x4e: {  	s13 =	sadd.s32 s3, s19;
	s8 =	simm.s32 $0x680;
	s9 =	sand.u32 $0x1FFFFFF0, s22  }
0x4f: {  	[tilespmem:s21], [sflag:$0x2] =	stream.linear.gather [hbm4b:s13+s2], $0x80, $0x38;
	[tilespmem:$0xC180] =	vst v63  }
0x50: {  	s9 =	sadd.s32 s4, s9;
	s21 =	simm.s32 $0x480;
	s23 =	spop (v2sf)  }
0x51: {  	(v2sf) =	vpush v2, $0x7;
	[tilespmem:s28], [sflag:$0x2] =	stream.linear.gather [hbm4b:s9+s2], $0x80, $0x38;
	[tilespmem:$0xC180] =	vst v63  }
0x52: {  	s28 =	simm.s32 $0x400;
	s13 =	sand.u32 $0x1FFFFFF0, s23;
	s24 =	spop (v2sf)  }
0x53: {  	(v2sf) =	vpush v1, $0x7;
	s25 =	sadd.s32 s5, s13;
	s26 =	sand.u32 $0x1FFFFFF0, s24;
	s29 =	spop (v2sf)  }
0x54: {  	[tilespmem:s31], [sflag:$0x2] =	stream.linear.gather [hbm4b:s25+s2], $0x80, $0x38;
	[tilespmem:$0xC180] =	vst v63  }
0x55: {  	s9 =	simm.s32 $0x4680;
	s13 =	sadd.s32 s3, s26;
	s30 =	spop (v2sf)  }
0x56: {  	(v2sf) =	vpush v63, $0x7;
	s11 =	sand.u32 $0x1FFFFFF0, s29;
	s25 =	simm.s32 $0x8480;
	s31 =	spop (v2sf)  }
0x57: {  	(v2sf) =	vpush v2, $0x8;
	[tilespmem:s28], [sflag:$0x2] =	stream.linear.gather [hbm4b:s13+s2], $0x80, $0x38;
	[tilespmem:$0xC180] =	vst v63  }
0x58: {  	s11 =	sadd.s32 s4, s11;
	s13 =	sand.u32 $0x1FFFFFF0, s30;
	s19 =	sand.u32 $0x1FFFFFF0, s31  }
0x59: {  	(v2sf) =	vpush v1, $0x8;
	[tilespmem:s10], [sflag:$0x2] =	stream.linear.gather [hbm4b:s11+s2], $0x80, $0x38;
	[tilespmem:$0xC180] =	vst v63  }
0x5a: {  	s22 =	spop (v2sf);
	s17 =	sadd.s32 s5, s13;
	s11 =	simm.s32 $0x8400  }
0x5b: {  	(v2sf) =	vpush v63, $0x8;
	[tilespmem:s11], [sflag:$0x2] =	stream.linear.gather [hbm4b:s17+s2], $0x80, $0x38;
	[tilespmem:$0xC180] =	vst v63  }
0x5c: {  	s13 =	sadd.s32 s3, s19;
	s23 =	spop (v2sf);
	s11 =	sand.u32 $0x1FFFFFF0, s22  }
0x5d: {  	(v2sf) =	vpush v2, $0x9;
	[tilespmem:s21], [sflag:$0x2] =	stream.linear.gather [hbm4b:s13+s2], $0x80, $0x38;
	[tilespmem:$0xC180] =	vst v63  }
0x5e: {  	s29 =	simm.s32 $0x4580;
	s11 =	sadd.s32 s4, s11;
	s13 =	sand.u32 $0x1FFFFFF0, s23  }
0x5f: {  	(v2sf) =	vpush v1, $0x9;
	[tilespmem:s12], [sflag:$0x2] =	stream.linear.gather [hbm4b:s11+s2], $0x80, $0x38;
	[tilespmem:$0xC180] =	vst v63  }
0x60: {  	s31 =	simm.s32 $0x4500;
	s24 =	spop (v2sf);
	s26 =	sadd.s32 s5, s13  }
0x61: {  	[tilespmem:s25], [sflag:$0x2] =	stream.linear.gather [hbm4b:s26+s2], $0x80, $0x38;
	[tilespmem:$0xC180] =	vst v63  }
0x62: {  	s19 =	simm.s32 $0x8500;
	s28 =	sand.u32 $0x1FFFFFF0, s24;
	s30 =	spop (v2sf)  }
0x63: {  	s10 =	simm.s32 $0x4600;
	s13 =	sadd.s32 s3, s28;
	(v2sf) =	vpush v63, $0x9;
	s12 =	sand.u32 $0x1FFFFFF0, s30  }
0x64: {  	(v2sf) =	vpush v2, $0xA;
	[tilespmem:s6], [sflag:$0x2] =	stream.linear.gather [hbm4b:s13+s2], $0x80, $0x38;
	[tilespmem:$0xC180] =	vst v63  }
0x65: {  	s23 =	simm.s32 $0x8580;
	s14 =	spop (v2sf);
	s12 =	sadd.s32 s4, s12  }
0x66: {  	s13 =	sand.u32 $0x1FFFFFF0, s14;
	s17 =	spop (v2sf);
	(v2sf) =	vpush v1, $0xA;
	s14 =	simm.s32 $0x4900  }
0x67: {  	[tilespmem:s31], [sflag:$0x2] =	stream.linear.gather [hbm4b:s12+s2], $0x80, $0x38;
	[tilespmem:$0xC180] =	vst v63  }
0x68: {  	s21 =	sadd.s32 s5, s13;
	s22 =	sand.u32 $0x1FFFFFF0, s17;
	(v2sf) =	vpush v63, $0xA;
	s24 =	spop (v2sf)  }
0x69: {  	(v2sf) =	vpush v2, $0xB;
	[tilespmem:s19], [sflag:$0x2] =	stream.linear.gather [hbm4b:s21+s2], $0x80, $0x38;
	[tilespmem:$0xC180] =	vst v63  }
0x6a: {  	s13 =	sadd.s32 s3, s22;
	s25 =	sand.u32 $0x1FFFFFF0, s24;
	s26 =	spop (v2sf)  }
0x6b: {  	(v2sf) =	vpush v1, $0xB;
	[tilespmem:s1], [sflag:$0x2] =	stream.linear.gather [hbm4b:s13+s2], $0x80, $0x38;
	[tilespmem:$0xC180] =	vst v63  }
0x6c: {  	s12 =	sand.u32 $0x1FFFFFF0, s26;
	s28 =	spop (v2sf);
	(v2sf) =	vpush v63, $0xB;
	s1 =	sadd.s32 s4, s25  }
0x6d: {  	[tilespmem:s29], [sflag:$0x2] =	stream.linear.gather [hbm4b:s1+s2], $0x80, $0x38;
	[tilespmem:$0xC180] =	vst v63  }
0x6e: {  	s30 =	sand.u32 $0x1FFFFFF0, s28;
	s31 =	spop (v2sf);
	(v2sf) =	vpush v2, $0xC;
	s29 =	sadd.s32 s5, s12  }
0x6f: {  	[tilespmem:s23], [sflag:$0x2] =	stream.linear.gather [hbm4b:s29+s2], $0x80, $0x38;
	[tilespmem:$0xC180] =	vst v63  }
0x70: {  	s21 =	simm.s32 $0x800;
	s26 =	simm.s32 $0x8680;
	s11 =	sadd.s32 s3, s30  }
0x71: {  	[tilespmem:s0], [sflag:$0x2] =	stream.linear.gather [hbm4b:s11+s2], $0x80, $0x38;
	[tilespmem:$0xC180] =	vst v63  }
0x72: {  	s13 =	simm.s32 $0x10;
	s1 =	sand.u32 $0x1FFFFFF0, s31;
	s12 =	spop (v2sf)  }
0x73: {  	s1 =	sadd.s32 s4, s1;
	s6 =	sand.u32 $0x1FFFFFF0, s12;
	s17 =	spop (v2sf)  }
0x74: {  	[tilespmem:s10], [sflag:$0x2] =	stream.linear.gather [hbm4b:s1+s2], $0x80, $0x38;
	[tilespmem:$0xC180] =	vst v63  }
0x75: {  	s31 =	simm.s32 $0x4700;
	(v2sf) =	vpush v1, $0xC;
	s19 =	sadd.s32 s5, s6;
	s23 =	spop (v2sf)  }
0x76: {  	[tilespmem:s7], [sflag:$0x2] =	stream.linear.gather [hbm4b:s19+s2], $0x80, $0x38;
	[tilespmem:$0xC180] =	vst v63  }
0x77: {  	s29 =	simm.s32 $0x700;
	(v2sf) =	vpush v63, $0xC;
	s22 =	sand.u32 $0x1FFFFFF0, s17;
	s24 =	spop (v2sf)  }
0x78: {  	s0 =	simm.s32 $0x4780;
	s6 =	sadd.s32 s3, s22;
	s25 =	spop (v2sf)  }
0x79: {  	[tilespmem:s8], [sflag:$0x2] =	stream.linear.gather [hbm4b:s6+s2], $0x80, $0x38;
	[tilespmem:$0xC180] =	vst v63  }
0x7a: {  	s12 =	simm.s32 $0x8880;
	s7 =	sand.u32 $0x1FFFFFF0, s23;
	(v2sf) =	vpush v2, $0xD;
	s30 =	spop (v2sf)  }
0x7b: {  	s1 =	simm.s32 $0x8700;
	s7 =	sadd.s32 s4, s7;
	s10 =	spop (v2sf)  }
0x7c: {  	(v2sf) =	vpush v1, $0xD;
	[tilespmem:s9], [sflag:$0x2] =	stream.linear.gather [hbm4b:s7+s2], $0x80, $0x38;
	[tilespmem:$0xC180] =	vst v63  }
0x7d: {  	s6 =	simm.s32 $0x780;
	s8 =	sand.u32 $0x1FFFFFF0, s24;
	s11 =	spop (v2sf)  }
0x7e: {  	s28 =	sand.u32 $0x1FFFFFF0, s25;
	s8 =	sadd.s32 s5, s8;
	s19 =	sand.u32 $0x1FFFFFF0, s11  }
0x7f: {  	[tilespmem:s26], [sflag:$0x2] =	stream.linear.gather [hbm4b:s8+s2], $0x80, $0x38;
	[tilespmem:$0xC180] =	vst v63  }
0x80: {  	s9 =	sadd.s32 s3, s28;
	s8 =	sand.u32 $0x1FFFFFF0, s30;
	s23 =	sadd.s32 s3, s19  }
0x81: {  	[tilespmem:s29], [sflag:$0x2] =	stream.linear.gather [hbm4b:s9+s2], $0x80, $0x38;
	[tilespmem:$0xC180] =	vst v63  }
0x82: {  	s19 =	simm.s32 $0x880;
	s8 =	sadd.s32 s4, s8;
	s9 =	sand.u32 $0x1FFFFFF0, s10  }
0x83: {  	[tilespmem:s31], [sflag:$0x2] =	stream.linear.gather [hbm4b:s8+s2], $0x80, $0x38;
	[tilespmem:$0xC180] =	vst v63  }
0x84: {  	s10 =	simm.s32 $0x900;
	s17 =	sadd.s32 s5, s9;
	s22 =	spop (v2sf)  }
0x85: {  	[tilespmem:s1], [sflag:$0x2] =	stream.linear.gather [hbm4b:s17+s2], $0x80, $0x38;
	[tilespmem:$0xC180] =	vst v63  }
0x86: {  	(v2sf) =	vpush v63, $0xD;
	s29 =	simm.s32 $0x8780;
	s24 =	sand.u32 $0x1FFFFFF0, s22;
	s25 =	spop (v2sf)  }
0x87: {  	(v2sf) =	vpush v2, $0xE;
	[tilespmem:s6], [sflag:$0x2] =	stream.linear.gather [hbm4b:s23+s2], $0x80, $0x38;
	[tilespmem:$0xC180] =	vst v63  }
0x88: {  	s1 =	simm.s32 $0x4800;
	(v2sf) =	vpush v1, $0xE;
	s26 =	sadd.s32 s4, s24;
	s28 =	sand.u32 $0x1FFFFFF0, s25  }
0x89: {  	s24 =	simm.s32 $0x4880;
	(v2sf) =	vpush v63, $0xE;
	s30 =	sadd.s32 s5, s28;
	s31 =	spop (v2sf)  }
0x8a: {  	(v2sf) =	vpush v2, $0xF;
	[tilespmem:s0], [sflag:$0x2] =	stream.linear.gather [hbm4b:s26+s2], $0x80, $0x38;
	[tilespmem:$0xC180] =	vst v63  }
0x8b: {  	s0 =	simm.s32 $0x8800;
	(v2sf) =	vpush v1, $0xF;
	s6 =	sand.u32 $0x1FFFFFF0, s31;
	s7 =	spop (v2sf)  }
0x8c: {  	(v2sf) =	vpush v63, $0xF;
	[tilespmem:s29], [sflag:$0x2] =	stream.linear.gather [hbm4b:s30+s2], $0x80, $0x38;
	[tilespmem:$0xC180] =	vst v63  }
.LBB2_2:
0x8d: {  	_ =	sdelay $0x3  }
0x8e: {  	s6 =	sadd.s32 s3, s6;
	s7 =	sand.u32 $0x1FFFFFF0, s7  }
0x8f: {  	[tilespmem:s21], [sflag:$0x2] =	stream.linear.gather [hbm4b:s6+s2], $0x80, $0x38;
	[tilespmem:$0xC180] =	vst v63  }
0x90: {  	s29 =	sadd.s32 s4, s7  }
0x91: {  	[tilespmem:s1], [sflag:$0x2] =	stream.linear.gather [hbm4b:s29+s2], $0x80, $0x38;
	[tilespmem:$0xC180] =	vst v63  }
0x92: {  	s8 =	spop (v2sf)  }
0x93: {  	s9 =	smov.u32 s18;
	s30 =	sand.u32 $0x1FFFFFF0, s8;
	s31 =	spop (v2sf)  }
0x94: {  	s7 =	sadd.s32 s5, s30;
	s11 =	sand.u32 $0x1FFFFFF0, s31;
	s17 =	spop (v2sf)  }
0x95: {  	[tilespmem:s0], [sflag:$0x2] =	stream.linear.gather [hbm4b:s7+s2], $0x80, $0x38;
	[tilespmem:$0xC180] =	vst v63  }
0x96: {  	s21 =	sadd.s32 s3, s11;
	s22 =	sand.u32 $0x1FFFFFF0, s17;
	s23 =	spop (v2sf)  }
0x97: {  	[tilespmem:s19], [sflag:$0x2] =	stream.linear.gather [hbm4b:s21+s2], $0x80, $0x38;
	[tilespmem:$0xC180] =	vst v63  }
0x98: {  	s25 =	sadd.s32 s4, s22;
	s26 =	sand.u32 $0x1FFFFFF0, s23;
	s28 =	spop (v2sf)  }
0x99: {  	[tilespmem:s24], [sflag:$0x2] =	stream.linear.gather [hbm4b:s25+s2], $0x80, $0x38;
	[tilespmem:$0xC180] =	vst v63  }
0x9a: {  	s29 =	sadd.s32 s5, s26;
	s30 =	sand.u32 $0x1FFFFFF0, s28;
	s31 =	spop (v2sf)  }
0x9b: {  	[tilespmem:s12], [sflag:$0x2] =	stream.linear.gather [hbm4b:s29+s2], $0x80, $0x38;
	[tilespmem:$0xC180] =	vst v63  }
0x9c: {  	s1 =	sadd.s32 s3, s30;
	s12 =	sadd.s32 $0x8900, s20;
	s20 =	sshra.s32 s9, $0x2  }
0x9d: {  	s7 =	sand.u32 $0x1FFFFFF0, s31;
	s8 =	spop (v2sf);
	s17 =	sadd.s32 $0x500, s20  }
0x9e: {  	[tilespmem:s10], [sflag:$0x2] =	stream.linear.gather [hbm4b:s1+s2], $0x80, $0x38;
	[tilespmem:$0xC180] =	vst v63  }
0x9f: {  	s11 =	sadd.s32 s4, s7;
	s19 =	sadd.s32 $0x580, s20;
	[dreg:$0x12] =	wrdreg s17  }
0xa0: {  	s6 =	sand.u32 $0x1FFFFFF0, s8;
	s21 =	sadd.s32 $0x600, s20;
	[dreg:$0x10] =	wrdreg s19  }
0xa1: {  	[tilespmem:s14], [sflag:$0x2] =	stream.linear.gather [hbm4b:s11+s2], $0x80, $0x38;
	[tilespmem:$0xC180] =	vst v63  }
0xa2: {  	s22 =	sadd.s32 $0x8300, s20;
	[dreg:$0xd] =	wrdreg s21;
	s14 =	sadd.s32 s5, s6  }
0xa3: {  	[tilespmem:s12], [sflag:$0x2] =	stream.linear.gather [hbm4b:s14+s2], $0x80, $0x38;
	[tilespmem:$0xC180] =	vst v63  }
0xa4: {  	p0 =	sne.s32 s18, $0xE000;
	s23 =	sadd.s32 $0x4400, s20;
	[dreg:$0x1f] =	wrdreg s22;
	v0 =	vld [tilespmem:s13+$0x0]  }
0xa5: {  	s18 =	sadd.s32 $0x2000, s18;
	s24 =	sadd.s32 $0x8600, s20;
	[dreg:$0x19] =	wrdreg s23;
	v1 =	vld [tilespmem:s15+$0x0]  }
0xa6: {  	s8 =	sadd.s32 $0x10, s15;
	s28 =	sadd.s32 $0x4380, s20;
	[dreg:$0xb] =	wrdreg s24;
	v3 =	vld [tilespmem:s16+$0x0]  }
0xa7: {  	s25 =	sadd.s32 $0x8180, s20;
	s30 =	sadd.s32 $0x8380, s20;
	[dreg:$0x1c] =	wrdreg s28  }
0xa8: {  	s29 =	sadd.s32 $0x4180, s20;
	s31 =	sadd.s32 $0x680, s20;
	[dreg:$0x1a] =	wrdreg s30  }
0xa9: {  	s26 =	sadd.s32 $0x8200, s20;
	s7 =	sadd.s32 $0x4680, s20;
	[dreg:$0xa] =	wrdreg s31;
	v2 =	vshll.u32 v0, $0x4  }
0xaa: {  	s9 =	sadd.s32 $0x4600, s20;
	s0 =	sadd.s32 $0x8800, s20;
	[dreg:$0x8] =	wrdreg s7;
	v1 =	vshll.u32 v1, $0x4;
	(v2sf) =	vpush v2, $0x0  }
0xab: {  	s1 =	sadd.s32 $0x180, s20;
	[dreg:$0xf] =	wrdreg s9;
	s10 =	sadd.s32 $0x4580, s20;
	v63 =	vshll.u32 v3, $0x4;
	(v2sf) =	vpush v1, $0x0  }
0xac: {  	s31 =	sadd.s32 $0x380, s20;
	s19 =	sadd.s32 $0x8500, s20;
	[dreg:$0x13] =	wrdreg s10;
	(v2sf) =	vpush v63, $0x0  }
0xad: {  	s17 =	sadd.s32 $0x200, s20;
	s21 =	sadd.s32 $0x8400, s20;
	[dreg:$0x15] =	wrdreg s19  }
0xae: {  	s28 =	sadd.s32 $0x280, s20;
	s22 =	sadd.s32 $0x8480, s20;
	[dreg:$0x1b] =	wrdreg s21  }
0xaf: {  	s7 =	sadd.s32 $0x8280, s20;
	s23 =	sadd.s32 $0x4780, s20;
	[dreg:$0x18] =	wrdreg s22;
	(v2sf) =	vpush v2, $0x1  }
0xb0: {  	s9 =	sadd.s32 $0x8880, s20;
	s24 =	sadd.s32 $0x8700, s20;
	[dreg:$0x6] =	wrdreg s23  }
0xb1: {  	s30 =	sadd.s32 $0x780, s20;
	s21 =	sadd.s32 $0x800, s20;
	[dreg:$0x9] =	wrdreg s24  }
0xb2: {  	s10 =	sadd.s32 $0x900, s20;
	s22 =	sadd.s32 $0x4200, s20;
	[dreg:$0x7] =	wrdreg s30;
	(v2sf) =	vpush v1, $0x1  }
0xb3: {  	s24 =	sadd.s32 $0x4880, s20;
	s19 =	sadd.s32 $0x480, s20;
	s11 =	sadd.s32 $0x300, s20  }
0xb4: {  	s6 =	sadd.s32 $0x4480, s20;
	[smem:$0x7F5] =	sst s19;
	s19 =	sadd.s32 $0x880, s20;
	(v2sf) =	vpush v63, $0x1  }
0xb5: {  	[dreg:$0x17] =	wrdreg s6;
	s6 =	sadd.s32 $0x4280, s20;
	s12 =	sadd.s32 $0x8580, s20  }
0xb6: {  	s14 =	sadd.s32 $0x400, s20;
	s16 =	sadd.s32 $0x10, s16;
	[dreg:$0x11] =	wrdreg s12;
	(v2sf) =	vpush v2, $0x2  }
0xb7: {  	s15 =	sadd.s32 $0x4300, s20;
	[dreg:$0x1e] =	wrdreg s14;
	s14 =	sadd.s32 $0x4900, s20  }
0xb8: {  	s13 =	sadd.s32 $0x10, s13;
	[dreg:$0x1d] =	wrdreg s15;
	s15 =	sadd.s32 $0x4500, s20;
	(v2sf) =	vpush v1, $0x2  }
0xb9: {  	s12 =	sadd.s32 $0x700, s20;
	[dreg:$0x16] =	wrdreg s15;
	s23 =	spop (v2sf)  }
0xba: {  	s15 =	sadd.s32 $0x4700, s20;
	(v2sf) =	vpush v63, $0x2;
	s30 =	sand.u32 $0x1FFFFFF0, s23;
	s23 =	spop (v2sf)  }
0xbb: {  	[dreg:$0xc] =	wrdreg s15;
	s15 =	sadd.s32 s3, s30;
	s30 =	spop (v2sf)  }
0xbc: {  	(v2sf) =	vpush v2, $0x3;
	[tilespmem:s1], [sflag:$0x2] =	stream.linear.gather [hbm4b:s15+s2], $0x80, $0x38;
	[tilespmem:$0xC180] =	vst v63  }
0xbd: {  	[dreg:$0xe] =	wrdreg s12;
	s23 =	sand.u32 $0x1FFFFFF0, s23;
	s15 =	sand.u32 $0x1FFFFFF0, s30  }
0xbe: {  	s1 =	sadd.s32 $0x4800, s20;
	s12 =	spop (v2sf);
	(v2sf) =	vpush v1, $0x3;
	s23 =	sadd.s32 s4, s23  }
0xbf: {  	s30 =	sand.u32 $0x1FFFFFF0, s12;
	s12 =	sadd.s32 $0x8680, s20;
	s15 =	sadd.s32 s5, s15  }
0xc0: {  	(v2sf) =	vpush v63, $0x3;
	[tilespmem:s29], [sflag:$0x2] =	stream.linear.gather [hbm4b:s23+s2], $0x80, $0x38;
	[tilespmem:$0xC180] =	vst v63  }
0xc1: {  	[dreg:$0x14] =	wrdreg s12;
	s29 =	sadd.s32 $0x8780, s20;
	s12 =	spop (v2sf)  }
0xc2: {  	[tilespmem:s25], [sflag:$0x2] =	stream.linear.gather [hbm4b:s15+s2], $0x80, $0x38;
	[tilespmem:$0xC180] =	vst v63  }
0xc3: {  	(v2sf) =	vpush v2, $0x4;
	s30 =	sadd.s32 s3, s30;
	s23 =	sand.u32 $0x1FFFFFF0, s12;
	s12 =	spop (v2sf)  }
0xc4: {  	(v2sf) =	vpush v1, $0x4;
	[tilespmem:s17], [sflag:$0x2] =	stream.linear.gather [hbm4b:s30+s2], $0x80, $0x38;
	[tilespmem:$0xC180] =	vst v63  }
0xc5: {  	s23 =	sadd.s32 s4, s23;
	s30 =	sand.u32 $0x1FFFFFF0, s12;
	s12 =	spop (v2sf)  }
0xc6: {  	[tilespmem:s22], [sflag:$0x2] =	stream.linear.gather [hbm4b:s23+s2], $0x80, $0x38;
	[tilespmem:$0xC180] =	vst v63  }
0xc7: {  	s25 =	spop (v2sf);
	s22 =	sadd.s32 s5, s30;
	s23 =	sand.u32 $0x1FFFFFF0, s12  }
0xc8: {  	(v2sf) =	vpush v63, $0x4;
	[tilespmem:s26], [sflag:$0x2] =	stream.linear.gather [hbm4b:s22+s2], $0x80, $0x38;
	[tilespmem:$0xC180] =	vst v63  }
0xc9: {  	s30 =	sand.u32 $0x1FFFFFF0, s25;
	s26 =	sadd.s32 s3, s23;
	s12 =	spop (v2sf)  }
0xca: {  	(v2sf) =	vpush v2, $0x5;
	[tilespmem:s28], [sflag:$0x2] =	stream.linear.gather [hbm4b:s26+s2], $0x80, $0x38;
	[tilespmem:$0xC180] =	vst v63  }
0xcb: {  	s23 =	sadd.s32 s4, s30;
	s25 =	sand.u32 $0x1FFFFFF0, s12;
	s26 =	spop (v2sf)  }
0xcc: {  	(v2sf) =	vpush v1, $0x5;
	[tilespmem:s6], [sflag:$0x2] =	stream.linear.gather [hbm4b:s23+s2], $0x80, $0x38;
	[tilespmem:$0xC180] =	vst v63  }
0xcd: {  	s28 =	sadd.s32 s5, s25;
	s30 =	sand.u32 $0x1FFFFFF0, s26;
	s12 =	spop (v2sf)  }
0xce: {  	[tilespmem:s7], [sflag:$0x2] =	stream.linear.gather [hbm4b:s28+s2], $0x80, $0x38;
	[tilespmem:$0xC180] =	vst v63  }
0xcf: {  	(v2sf) =	vpush v63, $0x5;
	s15 =	sadd.s32 s3, s30;
	s22 =	sand.u32 $0x1FFFFFF0, s12;
	s23 =	spop (v2sf)  }
0xd0: {  	s30 =	rddreg [dreg:$0x1d];
	s25 =	sadd.s32 s4, s22;
	s26 =	sand.u32 $0x1FFFFFF0, s23  }
0xd1: {  	(v2sf) =	vpush v2, $0x6;
	[tilespmem:s11], [sflag:$0x2] =	stream.linear.gather [hbm4b:s15+s2], $0x80, $0x38;
	[tilespmem:$0xC180] =	vst v63  }
0xd2: {  	(v2sf) =	vpush v1, $0x6;
	s28 =	spop (v2sf);
	s22 =	rddreg [dreg:$0x1f];
	s11 =	sadd.s32 s5, s26  }
0xd3: {  	s12 =	sand.u32 $0x1FFFFFF0, s28;
	s15 =	smov.u32 s8;
	s17 =	spop (v2sf)  }
0xd4: {  	[tilespmem:s30], [sflag:$0x2] =	stream.linear.gather [hbm4b:s25+s2], $0x80, $0x38;
	[tilespmem:$0xC180] =	vst v63  }
0xd5: {  	(v2sf) =	vpush v63, $0x6;
	s23 =	sadd.s32 s3, s12;
	s12 =	smov.u32 s9;
	s25 =	sand.u32 $0x1FFFFFF0, s17  }
0xd6: {  	[tilespmem:s22], [sflag:$0x2] =	stream.linear.gather [hbm4b:s11+s2], $0x80, $0x38;
	[tilespmem:$0xC180] =	vst v63  }
0xd7: {  	(v2sf) =	vpush v2, $0x7;
	s26 =	spop (v2sf);
	s28 =	sadd.s32 s4, s25;
	s25 =	rddreg [dreg:$0x1a]  }
0xd8: {  	[tilespmem:s31], [sflag:$0x2] =	stream.linear.gather [hbm4b:s23+s2], $0x80, $0x38;
	[tilespmem:$0xC180] =	vst v63  }
0xd9: {  	(v2sf) =	vpush v1, $0x7;
	s30 =	sand.u32 $0x1FFFFFF0, s26;
	s11 =	rddreg [dreg:$0x1c];
	s31 =	spop (v2sf)  }
0xda: {  	[tilespmem:s11], [sflag:$0x2] =	stream.linear.gather [hbm4b:s28+s2], $0x80, $0x38;
	[tilespmem:$0xC180] =	vst v63  }
0xdb: {  	s17 =	sadd.s32 s5, s30;
	s22 =	sand.u32 $0x1FFFFFF0, s31;
	s23 =	spop (v2sf)  }
0xdc: {  	[tilespmem:s25], [sflag:$0x2] =	stream.linear.gather [hbm4b:s17+s2], $0x80, $0x38;
	[tilespmem:$0xC180] =	vst v63  }
0xdd: {  	(v2sf) =	vpush v63, $0x7;
	s31 =	rddreg [dreg:$0x1e];
	s26 =	sadd.s32 s3, s22;
	s28 =	sand.u32 $0x1FFFFFF0, s23  }
0xde: {  	s17 =	rddreg [dreg:$0x19];
	s30 =	spop (v2sf);
	s8 =	sadd.s32 s4, s28  }
0xdf: {  	(v2sf) =	vpush v2, $0x8;
	[tilespmem:s31], [sflag:$0x2] =	stream.linear.gather [hbm4b:s26+s2], $0x80, $0x38;
	[tilespmem:$0xC180] =	vst v63  }
0xe0: {  	s9 =	sand.u32 $0x1FFFFFF0, s30;
	s11 =	spop (v2sf);
	s26 =	rddreg [dreg:$0x1b]  }
0xe1: {  	(v2sf) =	vpush v1, $0x8;
	s22 =	sadd.s32 s5, s9;
	s23 =	sand.u32 $0x1FFFFFF0, s11;
	s25 =	spop (v2sf)  }
0xe2: {  	(v2sf) =	vpush v63, $0x8;
	[tilespmem:s17], [sflag:$0x2] =	stream.linear.gather [hbm4b:s8+s2], $0x80, $0x38;
	[tilespmem:$0xC180] =	vst v63  }
0xe3: {  	s11 =	sld [smem:$0x7F5];
	s28 =	sadd.s32 s3, s23;
	s30 =	sand.u32 $0x1FFFFFF0, s25  }
0xe4: {  	s31 =	spop (v2sf);
	s25 =	rddreg [dreg:$0x17];
	s17 =	sadd.s32 s4, s30  }
0xe5: {  	(v2sf) =	vpush v2, $0x9;
	[tilespmem:s26], [sflag:$0x2] =	stream.linear.gather [hbm4b:s22+s2], $0x80, $0x38;
	[tilespmem:$0xC180] =	vst v63  }
0xe6: {  	s23 =	spop (v2sf);
	s22 =	sand.u32 $0x1FFFFFF0, s31;
	s31 =	rddreg [dreg:$0x18]  }
0xe7: {  	(v2sf) =	vpush v1, $0x9;
	[tilespmem:s11], [sflag:$0x2] =	stream.linear.gather [hbm4b:s28+s2], $0x80, $0x38;
	[tilespmem:$0xC180] =	vst v63  }
0xe8: {  	(v2sf) =	vpush v63, $0x9;
	s26 =	sadd.s32 s5, s22;
	s28 =	sand.u32 $0x1FFFFFF0, s23;
	s30 =	spop (v2sf)  }
0xe9: {  	[tilespmem:s25], [sflag:$0x2] =	stream.linear.gather [hbm4b:s17+s2], $0x80, $0x38;
	[tilespmem:$0xC180] =	vst v63  }
0xea: {  	s7 =	sadd.s32 s3, s28;
	s8 =	sand.u32 $0x1FFFFFF0, s30;
	s17 =	rddreg [dreg:$0x12]  }
0xeb: {  	[tilespmem:s31], [sflag:$0x2] =	stream.linear.gather [hbm4b:s26+s2], $0x80, $0x38;
	[tilespmem:$0xC180] =	vst v63  }
0xec: {  	(v2sf) =	vpush v2, $0xA;
	s22 =	sadd.s32 s4, s8;
	s11 =	spop (v2sf);
	s26 =	rddreg [dreg:$0x16]  }
0xed: {  	[tilespmem:s17], [sflag:$0x2] =	stream.linear.gather [hbm4b:s7+s2], $0x80, $0x38;
	[tilespmem:$0xC180] =	vst v63  }
0xee: {  	(v2sf) =	vpush v1, $0xA;
	s23 =	sand.u32 $0x1FFFFFF0, s11;
	s11 =	rddreg [dreg:$0x15];
	s25 =	spop (v2sf)  }
0xef: {  	[tilespmem:s26], [sflag:$0x2] =	stream.linear.gather [hbm4b:s22+s2], $0x80, $0x38;
	[tilespmem:$0xC180] =	vst v63  }
0xf0: {  	s28 =	sadd.s32 s5, s23;
	(v2sf) =	vpush v63, $0xA;
	s30 =	sand.u32 $0x1FFFFFF0, s25;
	s31 =	spop (v2sf)  }
0xf1: {  	s25 =	rddreg [dreg:$0x10];
	s17 =	sadd.s32 s3, s30;
	s23 =	spop (v2sf)  }
0xf2: {  	[tilespmem:s11], [sflag:$0x2] =	stream.linear.gather [hbm4b:s28+s2], $0x80, $0x38;
	[tilespmem:$0xC180] =	vst v63  }
0xf3: {  	(v2sf) =	vpush v2, $0xB;
	s22 =	sand.u32 $0x1FFFFFF0, s31;
	s31 =	rddreg [dreg:$0x13];
	s28 =	sand.u32 $0x1FFFFFF0, s23  }
0xf4: {  	s26 =	sadd.s32 s4, s22;
	s30 =	spop (v2sf);
	s7 =	sadd.s32 s5, s28  }
0xf5: {  	(v2sf) =	vpush v1, $0xB;
	[tilespmem:s25], [sflag:$0x2] =	stream.linear.gather [hbm4b:s17+s2], $0x80, $0x38;
	[tilespmem:$0xC180] =	vst v63  }
0xf6: {  	s8 =	sand.u32 $0x1FFFFFF0, s30;
	s11 =	spop (v2sf);
	s17 =	rddreg [dreg:$0x11]  }
0xf7: {  	(v2sf) =	vpush v63, $0xB;
	s23 =	sand.u32 $0x1FFFFFF0, s11;
	s25 =	spop (v2sf);
	s11 =	rddreg [dreg:$0xf]  }
0xf8: {  	[tilespmem:s31], [sflag:$0x2] =	stream.linear.gather [hbm4b:s26+s2], $0x80, $0x38;
	[tilespmem:$0xC180] =	vst v63  }
0xf9: {  	(v2sf) =	vpush v2, $0xC;
	s22 =	sadd.s32 s3, s8;
	s30 =	sand.u32 $0x1FFFFFF0, s25;
	s25 =	rddreg [dreg:$0xb]  }
0xfa: {  	[tilespmem:s17], [sflag:$0x2] =	stream.linear.gather [hbm4b:s7+s2], $0x80, $0x38;
	[tilespmem:$0xC180] =	vst v63  }
0xfb: {  	(v2sf) =	vpush v1, $0xC;
	s28 =	sadd.s32 s4, s23;
	s26 =	rddreg [dreg:$0xd];
	s31 =	spop (v2sf)  }
0xfc: {  	[tilespmem:s26], [sflag:$0x2] =	stream.linear.gather [hbm4b:s22+s2], $0x80, $0x38;
	[tilespmem:$0xC180] =	vst v63  }
0xfd: {  	s17 =	sadd.s32 s5, s30;
	s22 =	sand.u32 $0x1FFFFFF0, s31;
	s23 =	spop (v2sf)  }
0xfe: {  	[tilespmem:s11], [sflag:$0x2] =	stream.linear.gather [hbm4b:s28+s2], $0x80, $0x38;
	[tilespmem:$0xC180] =	vst v63  }
0xff: {  	(v2sf) =	vpush v63, $0xC;
	s31 =	rddreg [dreg:$0xa];
	s28 =	sand.u32 $0x1FFFFFF0, s23;
	s30 =	spop (v2sf)  }
0x100: {  	[tilespmem:s25], [sflag:$0x2] =	stream.linear.gather [hbm4b:s17+s2], $0x80, $0x38;
	[tilespmem:$0xC180] =	vst v63  }
0x101: {  	s26 =	sadd.s32 s3, s22;
	s7 =	sadd.s32 s4, s28;
	s8 =	sand.u32 $0x1FFFFFF0, s30  }
0x102: {  	(v2sf) =	vpush v2, $0xD;
	s17 =	rddreg [dreg:$0x8];
	s11 =	spop (v2sf);
	s22 =	sadd.s32 s5, s8  }
0x103: {  	[tilespmem:s31], [sflag:$0x2] =	stream.linear.gather [hbm4b:s26+s2], $0x80, $0x38;
	[tilespmem:$0xC180] =	vst v63  }
0x104: {  	(v2sf) =	vpush v1, $0xD;
	s23 =	sand.u32 $0x1FFFFFF0, s11;
	s25 =	spop (v2sf);
	s26 =	rddreg [dreg:$0x14]  }
0x105: {  	[tilespmem:s17], [sflag:$0x2] =	stream.linear.gather [hbm4b:s7+s2], $0x80, $0x38;
	[tilespmem:$0xC180] =	vst v63  }
0x106: {  	s11 =	rddreg [dreg:$0xe];
	s28 =	sadd.s32 s3, s23;
	s31 =	spop (v2sf)  }
0x107: {  	[tilespmem:s26], [sflag:$0x2] =	stream.linear.gather [hbm4b:s22+s2], $0x80, $0x38;
	[tilespmem:$0xC180] =	vst v63  }
0x108: {  	s30 =	sand.u32 $0x1FFFFFF0, s25;
	s25 =	rddreg [dreg:$0xc];
	s23 =	spop (v2sf)  }
0x109: {  	[tilespmem:s11], [sflag:$0x2] =	stream.linear.gather [hbm4b:s28+s2], $0x80, $0x38;
	[tilespmem:$0xC180] =	vst v63  }
0x10a: {  	s17 =	sadd.s32 s4, s30;
	s30 =	spop (v2sf);
	s22 =	sand.u32 $0x1FFFFFF0, s31  }
0x10b: {  	[tilespmem:s25], [sflag:$0x2] =	stream.linear.gather [hbm4b:s17+s2], $0x80, $0x38;
	[tilespmem:$0xC180] =	vst v63  }
0x10c: {  	s31 =	rddreg [dreg:$0x9];
	s26 =	sadd.s32 s5, s22;
	s28 =	sand.u32 $0x1FFFFFF0, s23  }
0x10d: {  	[tilespmem:s31], [sflag:$0x2] =	stream.linear.gather [hbm4b:s26+s2], $0x80, $0x38;
	[tilespmem:$0xC180] =	vst v63  }
0x10e: {  	(v2sf) =	vpush v63, $0xD;
	s22 =	spop (v2sf);
	s23 =	rddreg [dreg:$0x7];
	s11 =	sadd.s32 s3, s28  }
0x10f: {  	(v2sf) =	vpush v2, $0xE;
	[tilespmem:s23], [sflag:$0x2] =	stream.linear.gather [hbm4b:s11+s2], $0x80, $0x38;
	[tilespmem:$0xC180] =	vst v63  }
.Ltmp0:
0x110: {  	(v2sf) =	vpush v1, $0xE;
	s17 =	sand.u32 $0x1FFFFFF0, s30;
	s30 =	rddreg [dreg:$0x6];
	(pc) =	sbr.rel @p0 .LBB2_2-.Ltmp0, $4  }
0x111: {  	(v2sf) =	vpush v63, $0xE;
	s25 =	sadd.s32 s4, s17;
	s28 =	spop (v2sf);
	s26 =	sand.u32 $0x1FFFFFF0, s22  }
0x112: {  	(v2sf) =	vpush v2, $0xF;
	[tilespmem:s30], [sflag:$0x2] =	stream.linear.gather [hbm4b:s25+s2], $0x80, $0x38;
	[tilespmem:$0xC180] =	vst v63  }
0x113: {  	(v2sf) =	vpush v1, $0xF;
	s6 =	sand.u32 $0x1FFFFFF0, s28;
	s31 =	sadd.s32 s5, s26;
	s7 =	spop (v2sf)  }
0x114: {  	(v2sf) =	vpush v63, $0xF;
	[tilespmem:s29], [sflag:$0x2] =	stream.linear.gather [hbm4b:s31+s2], $0x80, $0x38;
	[tilespmem:$0xC180] =	vst v63  }
0x115: {  	_ =	sdelay $0x3  }
0x116: {  	s6 =	sadd.s32 s3, s6;
	s7 =	sand.u32 $0x1FFFFFF0, s7  }
0x117: {  	[tilespmem:s21], [sflag:$0x2] =	stream.linear.gather [hbm4b:s6+s2], $0x80, $0x38;
	[tilespmem:$0xC180] =	vst v63  }
0x118: {  	s29 =	sadd.s32 s4, s7  }
0x119: {  	[tilespmem:s1], [sflag:$0x2] =	stream.linear.gather [hbm4b:s29+s2], $0x80, $0x38;
	[tilespmem:$0xC180] =	vst v63  }
0x11a: {  	s8 =	spop (v2sf)  }
0x11b: {  	s30 =	sand.u32 $0x1FFFFFF0, s8;
	s31 =	spop (v2sf)  }
0x11c: {  	s9 =	sadd.s32 s5, s30;
	s11 =	sand.u32 $0x1FFFFFF0, s31;
	s13 =	spop (v2sf)  }
0x11d: {  	[tilespmem:s0], [sflag:$0x2] =	stream.linear.gather [hbm4b:s9+s2], $0x80, $0x38;
	[tilespmem:$0xC180] =	vst v63  }
0x11e: {  	s15 =	sadd.s32 s3, s11;
	s16 =	sand.u32 $0x1FFFFFF0, s13;
	s17 =	spop (v2sf)  }
0x11f: {  	[tilespmem:s19], [sflag:$0x2] =	stream.linear.gather [hbm4b:s15+s2], $0x80, $0x38;
	[tilespmem:$0xC180] =	vst v63  }
0x120: {  	s18 =	sadd.s32 s4, s16;
	s21 =	spop (v2sf);
	s19 =	sand.u32 $0x1FFFFFF0, s17  }
0x121: {  	[tilespmem:s24], [sflag:$0x2] =	stream.linear.gather [hbm4b:s18+s2], $0x80, $0x38;
	[tilespmem:$0xC180] =	vst v63  }
0x122: {  	s23 =	sand.u32 $0x1FFFFFF0, s21;
	s22 =	sadd.s32 s5, s19;
	s24 =	spop (v2sf)  }
0x123: {  	[tilespmem:s12], [sflag:$0x2] =	stream.linear.gather [hbm4b:s22+s2], $0x80, $0x38;
	[tilespmem:$0xC180] =	vst v63  }
0x124: {  	s25 =	sadd.s32 s3, s23;
	s26 =	sand.u32 $0x1FFFFFF0, s24;
	s28 =	spop (v2sf)  }
0x125: {  	[tilespmem:s10], [sflag:$0x2] =	stream.linear.gather [hbm4b:s25+s2], $0x80, $0x38;
	[tilespmem:$0xC180] =	vst v63  }
0x126: {  	s29 =	sadd.s32 s4, s26;
	s30 =	sand.u32 $0x1FFFFFF0, s28  }
0x127: {  	[tilespmem:s14], [sflag:$0x2] =	stream.linear.gather [hbm4b:s29+s2], $0x80, $0x38;
	[tilespmem:$0xC180] =	vst v63  }
0x128: {  	s31 =	sadd.s32 $0x8900, s20;
	s1 =	sadd.s32 s5, s30  }
0x129: {  	[tilespmem:s31], [sflag:$0x2] =	stream.linear.gather [hbm4b:s1+s2], $0x80, $0x38;
	[tilespmem:$0xC180] =	vst v63  }
0x12a: {  	s1 =	simm.s32 $0x2  }
0x12b: {  	_ =	swait.ge [sflag:s1], $0x80  }
0x12c: {  	[sflag:s1] =	ssyncset.done $0x0  }
0x12d: {  	[sflag:s1] =	ssyncadd.s32 $0xFFFFFF80  }
0x12e: {  	_ =	swait.ge [sflag:s1], $0x80  }
0x12f: {  	[sflag:s1] =	ssyncset.done $0x0  }
0x130: {  	[sflag:s1] =	ssyncadd.s32 $0xFFFFFF80  }
0x131: {  	_ =	swait.ge [sflag:s1], $0x80  }
0x132: {  	s0 =	simm.s32 $0x7F;
	[sflag:s1] =	ssyncset.done $0x0  }
.LBB2_4:
0x133: {  	p0 =	sne.s32 s0, $0x1;
	s0 =	sadd.s32 $0xFFFFFFFF, s0;
	[sflag:s1] =	ssyncadd.s32 $0xFFFFFF80  }
0x134: {  	_ =	swait.ge [sflag:s1], $0x80  }
0x135: {  	[sflag:s1] =	ssyncset.done $0x0  }
0x136: {  	[sflag:s1] =	ssyncadd.s32 $0xFFFFFF80  }
.Ltmp1:
0x137: {  	_ =	swait.ge [sflag:s1], $0x80;
	(pc) =	sbr.rel @p0 .LBB2_4-.Ltmp1, $4  }
0x138: {  	[sflag:s1] =	ssyncset.done $0x0  }
0x139: {  	[sflag:s1] =	ssyncadd.s32 $0xFFFFFF80  }
0x13a: {  	_ =	swait.ge [sflag:s1], $0x80  }
0x13b: {  	[sflag:s1] =	ssyncset.done $0x0  }
0x13c: {  	s0 =	sld [smem:$0x7FA];
	_ =	sdelay $0x1  }
0x13d: {  	[sflag:s1] =	ssyncadd.s32 $0xFFFFFF80;
	s24 =	simm.s32 $0x180;
	s25 =	simm.s32 $0x3  }
0x13e: {  	[hbm4b:s0+s2] =	stream.linear.scatter [tilespmem:s24], [sflag:$0x3], $0x4000, $0x38;
	[tilespmem:$0xC180] =	vst v63  }
0x13f: {  	_ =	swait.ge [sflag:s25], $0x4000  }
0x140: {  	s26 =	sld [smem:$0x7FB]  }
0x141: {  	[sflag:s25] =	ssyncset.done $0x0  }
0x142: {  	s6 =	simm.s32 $0x4180;
	[sflag:s25] =	ssyncadd.s32 $0xFFFFC000  }
0x143: {  	[hbm4b:s26+s2] =	stream.linear.scatter [tilespmem:s6], [sflag:$0x3], $0x4000, $0x38;
	[tilespmem:$0xC180] =	vst v63  }
0x144: {  	_ =	swait.ge [sflag:s25], $0x4000  }
0x145: {  	s28 =	sld [smem:$0x7FC]  }
0x146: {  	[sflag:s25] =	ssyncset.done $0x0  }
0x147: {  	s29 =	simm.s32 $0x8180;
	[sflag:s25] =	ssyncadd.s32 $0xFFFFC000  }
0x148: {  	[hbm4b:s28+s2] =	stream.linear.scatter [tilespmem:s29], [sflag:$0x3], $0x4000, $0x38;
	[tilespmem:$0xC180] =	vst v63  }
0x149: {  	_ =	swait.ge [sflag:s25], $0x4000  }
0x14a: {  	s30 =	sld [smem:$0x7F6]  }
0x14b: {  	s31 =	sld [smem:$0x7FD];
	_ =	sdelay $0x1  }
0x14c: {  	s6 =	sadd.s32 $0x1, s30  }
0x14d: {  	p0 =	sne.s32 s6, s31  }
.Ltmp2:
0x14e: {  	_ = 	snop;
	(pc) =	sbr.rel @p0 .LBB2_1-.Ltmp2, $3  }
0x14f: {  	_ =	sdelay $0x1  }
0x150: {  	[sflag:s25] =	ssyncset.done $0x0  }
0x151: {  	[sflag:s25] =	ssyncadd.s32 $0xFFFFC000  }
0x152: {  	_ =	sfence.sel $0x180000  }
0x153: {  	[bflag:$0x0] =	sbarrier.arrive $0xFFFF  }
0x154: {  	_ =	strace $0x90000047  }
0x155: {  	s0 =	stileid.u32;
	[bflag:$0x2] =	sbarrier.arrive $0xFFFF  }
0x156: {  	p0 =	sne.s32 s0, $0x0;
	s0 =	rddreg [dreg:$0x5]  }
0x157: {  	s0 =	sadd.s32 @!p0 $0x100000, s0  }
0x158: {  	[sflag:s0] =	ssyncadd.tile.s32 @!p0 $0x1;
	_ =	shalt  }
.Lfunc_end2:
_tile_overlayer_lowered:
.L_overlay_start_2:
0x159: {  	(tag) =	ssettag $0x2  }
0x15a: {  	s0 =	rddreg [dreg:$0x0];
	s2 =	stileid.u32  }
0x15b: {  	s1 =	rddreg [dreg:$0x1];
	p0 =	sne.s32 s2, $0x0  }
0x15c: {  	s3 =	rddreg [dreg:$0x2];
	[bflag:$0x3] =	sbarrier.arrive $0xFFFF;
	s2 =	simm.s32 @!p0 $0x1C03  }
0x15d: {  	[timem:s3], [sflag:s2] =	dma.local @!p0 [hbm:s0], s1  }
0x15e: {  	s0 =	simm.s32 @!p0 $0x3  }
0x15f: {  	_ =	swait.ge @!p0 [sflag:s0], s1  }
0x160: {  	s1 =	ssub.s32 @!p0 $0x0, s1;
	[sflag:s0] =	ssyncset.done @!p0 $0x0  }
0x161: {  	[sflag:s0] =	ssyncadd.s32 @!p0 s1  }
0x162: {  	[bflag:$0x3] =	sbarrier.arrive $0xFFFF  }
0x163: {  	_ =	shalt  }

</sc_bundles>
